<compile_context>
chip_gen: v7x
topology: tpu7x:2x2x1
jax: 0.10.2.dev20260603
libtpu: 0.0.44.dev20260713+nightly
codegen_flags: <defaults>
</compile_context>

<pallas_src>
import functools

import jax
import jax.numpy as jnp
from jax import lax
from jax.experimental import pallas as pl
from jax.experimental.pallas import tpu as pltpu
from jax.experimental.pallas import tpu_sc as plsc

N = 34
D = 128
W = 8
B = 16384
NP = N * N

NC = 2
NS = 16
NW = NC * NS
L = 16
C = B // NW
G = C // L


def _pair_table_body(e_ref, d_ref, b_ref, out_ref):
    m = lax.dot_general(e_ref[...], d_ref[...], (((1,), (1,)), ((), ())),
                        preferred_element_type=jnp.float32)
    m = (m + b_ref[...]) * 0.125
    out_ref[...] = m[:, None, :] + m[None, :, :]


def _sc_body(t2_hbm, idx_hbm, out_hbm, tab_v, idx_v, res_v, sem):
    wid = lax.axis_index("s") * NC + lax.axis_index("c")
    base = wid * C

    cp_tab = pltpu.async_copy(t2_hbm, tab_v, sem)
    cp_idx = [pltpu.async_copy(idx_hbm.at[w, pl.ds(base, C)], idx_v.at[w], sem)
              for w in range(W)]
    cp_tab.wait()
    for cp in cp_idx:
        cp.wait()

    lane = lax.broadcasted_iota(jnp.int32, (L,), 0)

    def group(g, carry):
        b0 = g * L
        iv = [idx_v[w, pl.ds(b0, L)] for w in range(W)]
        pv = [iv[2 * i] * N + iv[2 * i + 1] for i in range(W // 2)]
        sbase = (b0 + lane) * N
        fv = [p * N for p in pv]
        for c in range(N):
            g0 = plsc.load_gather(tab_v, [fv[0] + c])
            g1 = plsc.load_gather(tab_v, [fv[1] + c])
            g2 = plsc.load_gather(tab_v, [fv[2] + c])
            g3 = plsc.load_gather(tab_v, [fv[3] + c])
            plsc.store_scatter(res_v, [sbase + c], (g0 + g1) + (g2 + g3))
        return carry

    lax.fori_loop(0, G, group, 0)

    pltpu.sync_copy(res_v, out_hbm.at[pl.ds(base * N, C * N)])


def kernel(inputs, encode_weight, decode_weight, decode_bias):
    t2 = pl.pallas_call(
        _pair_table_body,
        out_shape=jax.ShapeDtypeStruct((N, N, N), jnp.float32),
    )(encode_weight, decode_weight, decode_bias.reshape(1, N))
    t2 = t2.reshape(NP, N)

    mesh = plsc.VectorSubcoreMesh(core_axis_name="c", subcore_axis_name="s",
                                  num_cores=NC, num_subcores=NS)
    sc = functools.partial(
        pl.kernel,
        out_type=jax.ShapeDtypeStruct((B * N,), jnp.float32),
        mesh=mesh,
        scratch_types=[
            pltpu.VMEM((NP * N,), jnp.float32),
            pltpu.VMEM((W, C), jnp.int32),
            pltpu.VMEM((C * N,), jnp.float32),
            pltpu.SemaphoreType.DMA,
        ],
        compiler_params=pltpu.CompilerParams(needs_layout_passes=False),
    )(_sc_body)
    flat = sc(t2.reshape(NP * N), inputs)
    return flat.reshape(B, N)

# --- scband reference (transcript-rebuilt; emitter-appended) ---
"""Pipeline reference for scband-deep-walk-59064390254628 (READ-ONLY COPY).

The authoritative reference and input builder live on the scoring server;
editing this copy changes nothing except your own understanding.
"""

import jax, jax.numpy as jnp
import numpy as np

NUM_NODES = 34
EMBED_DIM = 128
WINDOW = 8
BATCH = 16384


def setup_inputs(seed: int = 0) -> dict:
    key = jax.random.key(seed)
    k1, k2, k3, k4 = jax.random.split(key, 4)
    inputs = jax.random.randint(k1, (WINDOW, BATCH), 0, NUM_NODES, dtype=jnp.int32)
    encode_weight = jax.random.normal(k2, (NUM_NODES, EMBED_DIM), dtype=jnp.float32)
    decode_weight = jax.random.normal(k3, (NUM_NODES, EMBED_DIM), dtype=jnp.float32) * (1.0 / np.sqrt(EMBED_DIM))
    decode_bias = jax.random.normal(k4, (NUM_NODES,), dtype=jnp.float32) * 0.01
    return {"inputs": inputs, "encode_weight": encode_weight, "decode_weight": decode_weight, "decode_bias": decode_bias}


def reference(inputs, encode_weight, decode_weight, decode_bias):
    # embeds = self.encode(inputs).mean(0)
    embeds = jnp.take(encode_weight, inputs, axis=0)  # [WINDOW, BATCH, EMBED_DIM]
    embeds = embeds.mean(axis=0)                      # [BATCH, EMBED_DIM]
    # return self.decode(embeds)
    return embeds @ decode_weight.T + decode_bias     # [BATCH, NUM_NODES]

if __name__ == "__main__":
    import jax
    _d = setup_inputs()
    print(jax.jit(kernel)(*tuple(_d.values())))

</pallas_src>

<mosaic_0001>
#map = affine_map<(d0, d1) -> (0)>
#map1 = affine_map<(d0, d1) -> (0, 0)>
module attributes {stable_mosaic.version = 14 : i64} {
  func.func @_sc_body(%arg0: i32, %arg1: i32, %arg2: memref<39304xf32, #tpu.memory_space<hbm>>, %arg3: memref<8x16384xi32, #tpu.memory_space<hbm>>, %arg4: memref<557056xf32, #tpu.memory_space<hbm>>, %arg5: memref<39304xf32, #tpu.memory_space<vmem>>, %arg6: memref<8x512xi32, #tpu.memory_space<vmem>>, %arg7: memref<17408xf32, #tpu.memory_space<vmem>>, %arg8: memref<!tpu.dma_semaphore, #tpu.memory_space<semaphore_mem>>) attributes {dimension_semantics = [#tpu.dimension_semantics<core_parallel>, #tpu.dimension_semantics<subcore_parallel>], iteration_bounds = array<i64: 2, 16>, scalar_prefetch = 0 : i64, scratch_operands = 4 : i64, tpu.core_type = #tpu.core_type<sc_vector_subcore>, window_params = [{transform_indices = #map}, {transform_indices = #map1}, {transform_indices = #map}]} {
    %mul3A = arith.constant 2 : i32
    %mul3A_0 = arith.muli %arg1, %mul3A : i32
    %add3A = arith.addi %mul3A_0, %arg0 : i32
    %mul3A_1 = arith.constant 512 : i32
    %mul3A_2 = arith.muli %add3A, %mul3A_1 : i32
    tpu.enqueue_dma source(%arg2 : memref<39304xf32, #tpu.memory_space<hbm>>) target(%arg5 : memref<39304xf32, #tpu.memory_space<vmem>>) target_semaphore(%arg8 : memref<!tpu.dma_semaphore, #tpu.memory_space<semaphore_mem>>)
    %dma_start3A = arith.constant 0 : i32
    %dma_start3A_3 = arith.constant 0 : i32
    %dma_start3A_4 = arith.constant 0 : i32
    %dma_start3A_5 = tpu.memref_slice %arg6[%dma_start3A_3, %dma_start3A_4] : memref<8x512xi32, #tpu.memory_space<vmem>> -> memref<1x512xi32, #tpu.memory_space<vmem>>
    %dma_start3A_6 = tpu.memref_squeeze %dma_start3A_5 : memref<1x512xi32, #tpu.memory_space<vmem>> -> memref<512xi32, #tpu.memory_space<vmem>>
    %dma_start3A_7 = tpu.memref_slice %arg3[%dma_start3A, %mul3A_2] : memref<8x16384xi32, #tpu.memory_space<hbm>> -> memref<1x512xi32, #tpu.memory_space<hbm>>
    %dma_start3A_8 = tpu.memref_squeeze %dma_start3A_7 : memref<1x512xi32, #tpu.memory_space<hbm>> -> memref<512xi32, #tpu.memory_space<hbm>>
    %dma_start3A_9 = arith.constant 0 : i32
    %dma_start3A_10 = tpu.memref_slice %arg6[%dma_start3A_3, %dma_start3A_9] : memref<8x512xi32, #tpu.memory_space<vmem>> -> memref<1x512xi32, #tpu.memory_space<vmem>>
    %dma_start3A_11 = tpu.memref_squeeze %dma_start3A_10 : memref<1x512xi32, #tpu.memory_space<vmem>> -> memref<512xi32, #tpu.memory_space<vmem>>
    %dma_start3A_12 = tpu.memref_slice %arg3[%dma_start3A, %mul3A_2] : memref<8x16384xi32, #tpu.memory_space<hbm>> -> memref<1x512xi32, #tpu.memory_space<hbm>>
    %dma_start3A_13 = tpu.memref_squeeze %dma_start3A_12 : memref<1x512xi32, #tpu.memory_space<hbm>> -> memref<512xi32, #tpu.memory_space<hbm>>
    tpu.enqueue_dma source(%dma_start3A_13 : memref<512xi32, #tpu.memory_space<hbm>>) target(%dma_start3A_11 : memref<512xi32, #tpu.memory_space<vmem>>) target_semaphore(%arg8 : memref<!tpu.dma_semaphore, #tpu.memory_space<semaphore_mem>>)
    %dma_start3A_14 = arith.constant 1 : i32
    %dma_start3A_15 = arith.constant 1 : i32
    %dma_start3A_16 = arith.constant 0 : i32
    %dma_start3A_17 = tpu.memref_slice %arg6[%dma_start3A_15, %dma_start3A_16] : memref<8x512xi32, #tpu.memory_space<vmem>> -> memref<1x512xi32, #tpu.memory_space<vmem>>
    %dma_start3A_18 = tpu.memref_squeeze %dma_start3A_17 : memref<1x512xi32, #tpu.memory_space<vmem>> -> memref<512xi32, #tpu.memory_space<vmem>>
    %dma_start3A_19 = tpu.memref_slice %arg3[%dma_start3A_14, %mul3A_2] : memref<8x16384xi32, #tpu.memory_space<hbm>> -> memref<1x512xi32, #tpu.memory_space<hbm>>
    %dma_start3A_20 = tpu.memref_squeeze %dma_start3A_19 : memref<1x512xi32, #tpu.memory_space<hbm>> -> memref<512xi32, #tpu.memory_space<hbm>>
    %dma_start3A_21 = arith.constant 0 : i32
    %dma_start3A_22 = tpu.memref_slice %arg6[%dma_start3A_15, %dma_start3A_21] : memref<8x512xi32, #tpu.memory_space<vmem>> -> memref<1x512xi32, #tpu.memory_space<vmem>>
    %dma_start3A_23 = tpu.memref_squeeze %dma_start3A_22 : memref<1x512xi32, #tpu.memory_space<vmem>> -> memref<512xi32, #tpu.memory_space<vmem>>
    %dma_start3A_24 = tpu.memref_slice %arg3[%dma_start3A_14, %mul3A_2] : memref<8x16384xi32, #tpu.memory_space<hbm>> -> memref<1x512xi32, #tpu.memory_space<hbm>>
    %dma_start3A_25 = tpu.memref_squeeze %dma_start3A_24 : memref<1x512xi32, #tpu.memory_space<hbm>> -> memref<512xi32, #tpu.memory_space<hbm>>
    tpu.enqueue_dma source(%dma_start3A_25 : memref<512xi32, #tpu.memory_space<hbm>>) target(%dma_start3A_23 : memref<512xi32, #tpu.memory_space<vmem>>) target_semaphore(%arg8 : memref<!tpu.dma_semaphore, #tpu.memory_space<semaphore_mem>>)
    %dma_start3A_26 = arith.constant 2 : i32
    %dma_start3A_27 = arith.constant 2 : i32
    %dma_start3A_28 = arith.constant 0 : i32
    %dma_start3A_29 = tpu.memref_slice %arg6[%dma_start3A_27, %dma_start3A_28] : memref<8x512xi32, #tpu.memory_space<vmem>> -> memref<1x512xi32, #tpu.memory_space<vmem>>
    %dma_start3A_30 = tpu.memref_squeeze %dma_start3A_29 : memref<1x512xi32, #tpu.memory_space<vmem>> -> memref<512xi32, #tpu.memory_space<vmem>>
    %dma_start3A_31 = tpu.memref_slice %arg3[%dma_start3A_26, %mul3A_2] : memref<8x16384xi32, #tpu.memory_space<hbm>> -> memref<1x512xi32, #tpu.memory_space<hbm>>
    %dma_start3A_32 = tpu.memref_squeeze %dma_start3A_31 : memref<1x512xi32, #tpu.memory_space<hbm>> -> memref<512xi32, #tpu.memory_space<hbm>>
    %dma_start3A_33 = arith.constant 0 : i32
    %dma_start3A_34 = tpu.memref_slice %arg6[%dma_start3A_27, %dma_start3A_33] : memref<8x512xi32, #tpu.memory_space<vmem>> -> memref<1x512xi32, #tpu.memory_space<vmem>>
    %dma_start3A_35 = tpu.memref_squeeze %dma_start3A_34 : memref<1x512xi32, #tpu.memory_space<vmem>> -> memref<512xi32, #tpu.memory_space<vmem>>
    %dma_start3A_36 = tpu.memref_slice %arg3[%dma_start3A_26, %mul3A_2] : memref<8x16384xi32, #tpu.memory_space<hbm>> -> memref<1x512xi32, #tpu.memory_space<hbm>>
    %dma_start3A_37 = tpu.memref_squeeze %dma_start3A_36 : memref<1x512xi32, #tpu.memory_space<hbm>> -> memref<512xi32, #tpu.memory_space<hbm>>
    tpu.enqueue_dma source(%dma_start3A_37 : memref<512xi32, #tpu.memory_space<hbm>>) target(%dma_start3A_35 : memref<512xi32, #tpu.memory_space<vmem>>) target_semaphore(%arg8 : memref<!tpu.dma_semaphore, #tpu.memory_space<semaphore_mem>>)
    %dma_start3A_38 = arith.constant 3 : i32
    %dma_start3A_39 = arith.constant 3 : i32
    %dma_start3A_40 = arith.constant 0 : i32
    %dma_start3A_41 = tpu.memref_slice %arg6[%dma_start3A_39, %dma_start3A_40] : memref<8x512xi32, #tpu.memory_space<vmem>> -> memref<1x512xi32, #tpu.memory_space<vmem>>
    %dma_start3A_42 = tpu.memref_squeeze %dma_start3A_41 : memref<1x512xi32, #tpu.memory_space<vmem>> -> memref<512xi32, #tpu.memory_space<vmem>>
    %dma_start3A_43 = tpu.memref_slice %arg3[%dma_start3A_38, %mul3A_2] : memref<8x16384xi32, #tpu.memory_space<hbm>> -> memref<1x512xi32, #tpu.memory_space<hbm>>
    %dma_start3A_44 = tpu.memref_squeeze %dma_start3A_43 : memref<1x512xi32, #tpu.memory_space<hbm>> -> memref<512xi32, #tpu.memory_space<hbm>>
    %dma_start3A_45 = arith.constant 0 : i32
    %dma_start3A_46 = tpu.memref_slice %arg6[%dma_start3A_39, %dma_start3A_45] : memref<8x512xi32, #tpu.memory_space<vmem>> -> memref<1x512xi32, #tpu.memory_space<vmem>>
    %dma_start3A_47 = tpu.memref_squeeze %dma_start3A_46 : memref<1x512xi32, #tpu.memory_space<vmem>> -> memref<512xi32, #tpu.memory_space<vmem>>
    %dma_start3A_48 = tpu.memref_slice %arg3[%dma_start3A_38, %mul3A_2] : memref<8x16384xi32, #tpu.memory_space<hbm>> -> memref<1x512xi32, #tpu.memory_space<hbm>>
    %dma_start3A_49 = tpu.memref_squeeze %dma_start3A_48 : memref<1x512xi32, #tpu.memory_space<hbm>> -> memref<512xi32, #tpu.memory_space<hbm>>
    tpu.enqueue_dma source(%dma_start3A_49 : memref<512xi32, #tpu.memory_space<hbm>>) target(%dma_start3A_47 : memref<512xi32, #tpu.memory_space<vmem>>) target_semaphore(%arg8 : memref<!tpu.dma_semaphore, #tpu.memory_space<semaphore_mem>>)
    %dma_start3A_50 = arith.constant 4 : i32
    %dma_start3A_51 = arith.constant 4 : i32
    %dma_start3A_52 = arith.constant 0 : i32
    %dma_start3A_53 = tpu.memref_slice %arg6[%dma_start3A_51, %dma_start3A_52] : memref<8x512xi32, #tpu.memory_space<vmem>> -> memref<1x512xi32, #tpu.memory_space<vmem>>
    %dma_start3A_54 = tpu.memref_squeeze %dma_start3A_53 : memref<1x512xi32, #tpu.memory_space<vmem>> -> memref<512xi32, #tpu.memory_space<vmem>>
    %dma_start3A_55 = tpu.memref_slice %arg3[%dma_start3A_50, %mul3A_2] : memref<8x16384xi32, #tpu.memory_space<hbm>> -> memref<1x512xi32, #tpu.memory_space<hbm>>
    %dma_start3A_56 = tpu.memref_squeeze %dma_start3A_55 : memref<1x512xi32, #tpu.memory_space<hbm>> -> memref<512xi32, #tpu.memory_space<hbm>>
    %dma_start3A_57 = arith.constant 0 : i32
    %dma_start3A_58 = tpu.memref_slice %arg6[%dma_start3A_51, %dma_start3A_57] : memref<8x512xi32, #tpu.memory_space<vmem>> -> memref<1x512xi32, #tpu.memory_space<vmem>>
    %dma_start3A_59 = tpu.memref_squeeze %dma_start3A_58 : memref<1x512xi32, #tpu.memory_space<vmem>> -> memref<512xi32, #tpu.memory_space<vmem>>
    %dma_start3A_60 = tpu.memref_slice %arg3[%dma_start3A_50, %mul3A_2] : memref<8x16384xi32, #tpu.memory_space<hbm>> -> memref<1x512xi32, #tpu.memory_space<hbm>>
    %dma_start3A_61 = tpu.memref_squeeze %dma_start3A_60 : memref<1x512xi32, #tpu.memory_space<hbm>> -> memref<512xi32, #tpu.memory_space<hbm>>
    tpu.enqueue_dma source(%dma_start3A_61 : memref<512xi32, #tpu.memory_space<hbm>>) target(%dma_start3A_59 : memref<512xi32, #tpu.memory_space<vmem>>) target_semaphore(%arg8 : memref<!tpu.dma_semaphore, #tpu.memory_space<semaphore_mem>>)
    %dma_start3A_62 = arith.constant 5 : i32
    %dma_start3A_63 = arith.constant 5 : i32
    %dma_start3A_64 = arith.constant 0 : i32
    %dma_start3A_65 = tpu.memref_slice %arg6[%dma_start3A_63, %dma_start3A_64] : memref<8x512xi32, #tpu.memory_space<vmem>> -> memref<1x512xi32, #tpu.memory_space<vmem>>
    %dma_start3A_66 = tpu.memref_squeeze %dma_start3A_65 : memref<1x512xi32, #tpu.memory_space<vmem>> -> memref<512xi32, #tpu.memory_space<vmem>>
    %dma_start3A_67 = tpu.memref_slice %arg3[%dma_start3A_62, %mul3A_2] : memref<8x16384xi32, #tpu.memory_space<hbm>> -> memref<1x512xi32, #tpu.memory_space<hbm>>
    %dma_start3A_68 = tpu.memref_squeeze %dma_start3A_67 : memref<1x512xi32, #tpu.memory_space<hbm>> -> memref<512xi32, #tpu.memory_space<hbm>>
    %dma_start3A_69 = arith.constant 0 : i32
    %dma_start3A_70 = tpu.memref_slice %arg6[%dma_start3A_63, %dma_start3A_69] : memref<8x512xi32, #tpu.memory_space<vmem>> -> memref<1x512xi32, #tpu.memory_space<vmem>>
    %dma_start3A_71 = tpu.memref_squeeze %dma_start3A_70 : memref<1x512xi32, #tpu.memory_space<vmem>> -> memref<512xi32, #tpu.memory_space<vmem>>
    %dma_start3A_72 = tpu.memref_slice %arg3[%dma_start3A_62, %mul3A_2] : memref<8x16384xi32, #tpu.memory_space<hbm>> -> memref<1x512xi32, #tpu.memory_space<hbm>>
    %dma_start3A_73 = tpu.memref_squeeze %dma_start3A_72 : memref<1x512xi32, #tpu.memory_space<hbm>> -> memref<512xi32, #tpu.memory_space<hbm>>
    tpu.enqueue_dma source(%dma_start3A_73 : memref<512xi32, #tpu.memory_space<hbm>>) target(%dma_start3A_71 : memref<512xi32, #tpu.memory_space<vmem>>) target_semaphore(%arg8 : memref<!tpu.dma_semaphore, #tpu.memory_space<semaphore_mem>>)
    %dma_start3A_74 = arith.constant 6 : i32
    %dma_start3A_75 = arith.constant 6 : i32
    %dma_start3A_76 = arith.constant 0 : i32
    %dma_start3A_77 = tpu.memref_slice %arg6[%dma_start3A_75, %dma_start3A_76] : memref<8x512xi32, #tpu.memory_space<vmem>> -> memref<1x512xi32, #tpu.memory_space<vmem>>
    %dma_start3A_78 = tpu.memref_squeeze %dma_start3A_77 : memref<1x512xi32, #tpu.memory_space<vmem>> -> memref<512xi32, #tpu.memory_space<vmem>>
    %dma_start3A_79 = tpu.memref_slice %arg3[%dma_start3A_74, %mul3A_2] : memref<8x16384xi32, #tpu.memory_space<hbm>> -> memref<1x512xi32, #tpu.memory_space<hbm>>
    %dma_start3A_80 = tpu.memref_squeeze %dma_start3A_79 : memref<1x512xi32, #tpu.memory_space<hbm>> -> memref<512xi32, #tpu.memory_space<hbm>>
    %dma_start3A_81 = arith.constant 0 : i32
    %dma_start3A_82 = tpu.memref_slice %arg6[%dma_start3A_75, %dma_start3A_81] : memref<8x512xi32, #tpu.memory_space<vmem>> -> memref<1x512xi32, #tpu.memory_space<vmem>>
    %dma_start3A_83 = tpu.memref_squeeze %dma_start3A_82 : memref<1x512xi32, #tpu.memory_space<vmem>> -> memref<512xi32, #tpu.memory_space<vmem>>
    %dma_start3A_84 = tpu.memref_slice %arg3[%dma_start3A_74, %mul3A_2] : memref<8x16384xi32, #tpu.memory_space<hbm>> -> memref<1x512xi32, #tpu.memory_space<hbm>>
    %dma_start3A_85 = tpu.memref_squeeze %dma_start3A_84 : memref<1x512xi32, #tpu.memory_space<hbm>> -> memref<512xi32, #tpu.memory_space<hbm>>
    tpu.enqueue_dma source(%dma_start3A_85 : memref<512xi32, #tpu.memory_space<hbm>>) target(%dma_start3A_83 : memref<512xi32, #tpu.memory_space<vmem>>) target_semaphore(%arg8 : memref<!tpu.dma_semaphore, #tpu.memory_space<semaphore_mem>>)
    %dma_start3A_86 = arith.constant 7 : i32
    %dma_start3A_87 = arith.constant 7 : i32
    %dma_start3A_88 = arith.constant 0 : i32
    %dma_start3A_89 = tpu.memref_slice %arg6[%dma_start3A_87, %dma_start3A_88] : memref<8x512xi32, #tpu.memory_space<vmem>> -> memref<1x512xi32, #tpu.memory_space<vmem>>
    %dma_start3A_90 = tpu.memref_squeeze %dma_start3A_89 : memref<1x512xi32, #tpu.memory_space<vmem>> -> memref<512xi32, #tpu.memory_space<vmem>>
    %dma_start3A_91 = tpu.memref_slice %arg3[%dma_start3A_86, %mul3A_2] : memref<8x16384xi32, #tpu.memory_space<hbm>> -> memref<1x512xi32, #tpu.memory_space<hbm>>
    %dma_start3A_92 = tpu.memref_squeeze %dma_start3A_91 : memref<1x512xi32, #tpu.memory_space<hbm>> -> memref<512xi32, #tpu.memory_space<hbm>>
    %dma_start3A_93 = arith.constant 0 : i32
    %dma_start3A_94 = tpu.memref_slice %arg6[%dma_start3A_87, %dma_start3A_93] : memref<8x512xi32, #tpu.memory_space<vmem>> -> memref<1x512xi32, #tpu.memory_space<vmem>>
    %dma_start3A_95 = tpu.memref_squeeze %dma_start3A_94 : memref<1x512xi32, #tpu.memory_space<vmem>> -> memref<512xi32, #tpu.memory_space<vmem>>
    %dma_start3A_96 = tpu.memref_slice %arg3[%dma_start3A_86, %mul3A_2] : memref<8x16384xi32, #tpu.memory_space<hbm>> -> memref<1x512xi32, #tpu.memory_space<hbm>>
    %dma_start3A_97 = tpu.memref_squeeze %dma_start3A_96 : memref<1x512xi32, #tpu.memory_space<hbm>> -> memref<512xi32, #tpu.memory_space<hbm>>
    tpu.enqueue_dma source(%dma_start3A_97 : memref<512xi32, #tpu.memory_space<hbm>>) target(%dma_start3A_95 : memref<512xi32, #tpu.memory_space<vmem>>) target_semaphore(%arg8 : memref<!tpu.dma_semaphore, #tpu.memory_space<semaphore_mem>>)
    tpu.wait_dma2 semaphore(%arg8 : memref<!tpu.dma_semaphore, #tpu.memory_space<semaphore_mem>>) src(%arg2 : memref<39304xf32, #tpu.memory_space<hbm>>) dst(%arg5 : memref<39304xf32, #tpu.memory_space<vmem>>)
    %dma_wait3A = arith.constant 0 : i32
    %dma_wait3A_98 = arith.constant 0 : i32
    %dma_wait3A_99 = arith.constant 0 : i32
    %dma_wait3A_100 = tpu.memref_slice %arg6[%dma_wait3A_98, %dma_wait3A_99] : memref<8x512xi32, #tpu.memory_space<vmem>> -> memref<1x512xi32, #tpu.memory_space<vmem>>
    %dma_wait3A_101 = tpu.memref_squeeze %dma_wait3A_100 : memref<1x512xi32, #tpu.memory_space<vmem>> -> memref<512xi32, #tpu.memory_space<vmem>>
    %dma_wait3A_102 = tpu.memref_slice %arg3[%dma_wait3A, %mul3A_2] : memref<8x16384xi32, #tpu.memory_space<hbm>> -> memref<1x512xi32, #tpu.memory_space<hbm>>
    %dma_wait3A_103 = tpu.memref_squeeze %dma_wait3A_102 : memref<1x512xi32, #tpu.memory_space<hbm>> -> memref<512xi32, #tpu.memory_space<hbm>>
    %dma_wait3A_104 = arith.constant 0 : i32
    %dma_wait3A_105 = tpu.memref_slice %arg6[%dma_wait3A_98, %dma_wait3A_104] : memref<8x512xi32, #tpu.memory_space<vmem>> -> memref<1x512xi32, #tpu.memory_space<vmem>>
    %dma_wait3A_106 = tpu.memref_squeeze %dma_wait3A_105 : memref<1x512xi32, #tpu.memory_space<vmem>> -> memref<512xi32, #tpu.memory_space<vmem>>
    %dma_wait3A_107 = tpu.memref_slice %arg3[%dma_wait3A, %mul3A_2] : memref<8x16384xi32, #tpu.memory_space<hbm>> -> memref<1x512xi32, #tpu.memory_space<hbm>>
    %dma_wait3A_108 = tpu.memref_squeeze %dma_wait3A_107 : memref<1x512xi32, #tpu.memory_space<hbm>> -> memref<512xi32, #tpu.memory_space<hbm>>
    tpu.wait_dma2 semaphore(%arg8 : memref<!tpu.dma_semaphore, #tpu.memory_space<semaphore_mem>>) src(%dma_wait3A_108 : memref<512xi32, #tpu.memory_space<hbm>>) dst(%dma_wait3A_106 : memref<512xi32, #tpu.memory_space<vmem>>)
    %dma_wait3A_109 = arith.constant 1 : i32
    %dma_wait3A_110 = arith.constant 1 : i32
    %dma_wait3A_111 = arith.constant 0 : i32
    %dma_wait3A_112 = tpu.memref_slice %arg6[%dma_wait3A_110, %dma_wait3A_111] : memref<8x512xi32, #tpu.memory_space<vmem>> -> memref<1x512xi32, #tpu.memory_space<vmem>>
    %dma_wait3A_113 = tpu.memref_squeeze %dma_wait3A_112 : memref<1x512xi32, #tpu.memory_space<vmem>> -> memref<512xi32, #tpu.memory_space<vmem>>
    %dma_wait3A_114 = tpu.memref_slice %arg3[%dma_wait3A_109, %mul3A_2] : memref<8x16384xi32, #tpu.memory_space<hbm>> -> memref<1x512xi32, #tpu.memory_space<hbm>>
    %dma_wait3A_115 = tpu.memref_squeeze %dma_wait3A_114 : memref<1x512xi32, #tpu.memory_space<hbm>> -> memref<512xi32, #tpu.memory_space<hbm>>
    %dma_wait3A_116 = arith.constant 0 : i32
    %dma_wait3A_117 = tpu.memref_slice %arg6[%dma_wait3A_110, %dma_wait3A_116] : memref<8x512xi32, #tpu.memory_space<vmem>> -> memref<1x512xi32, #tpu.memory_space<vmem>>
    %dma_wait3A_118 = tpu.memref_squeeze %dma_wait3A_117 : memref<1x512xi32, #tpu.memory_space<vmem>> -> memref<512xi32, #tpu.memory_space<vmem>>
    %dma_wait3A_119 = tpu.memref_slice %arg3[%dma_wait3A_109, %mul3A_2] : memref<8x16384xi32, #tpu.memory_space<hbm>> -> memref<1x512xi32, #tpu.memory_space<hbm>>
    %dma_wait3A_120 = tpu.memref_squeeze %dma_wait3A_119 : memref<1x512xi32, #tpu.memory_space<hbm>> -> memref<512xi32, #tpu.memory_space<hbm>>
    tpu.wait_dma2 semaphore(%arg8 : memref<!tpu.dma_semaphore, #tpu.memory_space<semaphore_mem>>) src(%dma_wait3A_120 : memref<512xi32, #tpu.memory_space<hbm>>) dst(%dma_wait3A_118 : memref<512xi32, #tpu.memory_space<vmem>>)
    %dma_wait3A_121 = arith.constant 2 : i32
    %dma_wait3A_122 = arith.constant 2 : i32
    %dma_wait3A_123 = arith.constant 0 : i32
    %dma_wait3A_124 = tpu.memref_slice %arg6[%dma_wait3A_122, %dma_wait3A_123] : memref<8x512xi32, #tpu.memory_space<vmem>> -> memref<1x512xi32, #tpu.memory_space<vmem>>
    %dma_wait3A_125 = tpu.memref_squeeze %dma_wait3A_124 : memref<1x512xi32, #tpu.memory_space<vmem>> -> memref<512xi32, #tpu.memory_space<vmem>>
    %dma_wait3A_126 = tpu.memref_slice %arg3[%dma_wait3A_121, %mul3A_2] : memref<8x16384xi32, #tpu.memory_space<hbm>> -> memref<1x512xi32, #tpu.memory_space<hbm>>
    %dma_wait3A_127 = tpu.memref_squeeze %dma_wait3A_126 : memref<1x512xi32, #tpu.memory_space<hbm>> -> memref<512xi32, #tpu.memory_space<hbm>>
    %dma_wait3A_128 = arith.constant 0 : i32
    %dma_wait3A_129 = tpu.memref_slice %arg6[%dma_wait3A_122, %dma_wait3A_128] : memref<8x512xi32, #tpu.memory_space<vmem>> -> memref<1x512xi32, #tpu.memory_space<vmem>>
    %dma_wait3A_130 = tpu.memref_squeeze %dma_wait3A_129 : memref<1x512xi32, #tpu.memory_space<vmem>> -> memref<512xi32, #tpu.memory_space<vmem>>
    %dma_wait3A_131 = tpu.memref_slice %arg3[%dma_wait3A_121, %mul3A_2] : memref<8x16384xi32, #tpu.memory_space<hbm>> -> memref<1x512xi32, #tpu.memory_space<hbm>>
    %dma_wait3A_132 = tpu.memref_squeeze %dma_wait3A_131 : memref<1x512xi32, #tpu.memory_space<hbm>> -> memref<512xi32, #tpu.memory_space<hbm>>
    tpu.wait_dma2 semaphore(%arg8 : memref<!tpu.dma_semaphore, #tpu.memory_space<semaphore_mem>>) src(%dma_wait3A_132 : memref<512xi32, #tpu.memory_space<hbm>>) dst(%dma_wait3A_130 : memref<512xi32, #tpu.memory_space<vmem>>)
    %dma_wait3A_133 = arith.constant 3 : i32
    %dma_wait3A_134 = arith.constant 3 : i32
    %dma_wait3A_135 = arith.constant 0 : i32
    %dma_wait3A_136 = tpu.memref_slice %arg6[%dma_wait3A_134, %dma_wait3A_135] : memref<8x512xi32, #tpu.memory_space<vmem>> -> memref<1x512xi32, #tpu.memory_space<vmem>>
    %dma_wait3A_137 = tpu.memref_squeeze %dma_wait3A_136 : memref<1x512xi32, #tpu.memory_space<vmem>> -> memref<512xi32, #tpu.memory_space<vmem>>
    %dma_wait3A_138 = tpu.memref_slice %arg3[%dma_wait3A_133, %mul3A_2] : memref<8x16384xi32, #tpu.memory_space<hbm>> -> memref<1x512xi32, #tpu.memory_space<hbm>>
    %dma_wait3A_139 = tpu.memref_squeeze %dma_wait3A_138 : memref<1x512xi32, #tpu.memory_space<hbm>> -> memref<512xi32, #tpu.memory_space<hbm>>
    %dma_wait3A_140 = arith.constant 0 : i32
    %dma_wait3A_141 = tpu.memref_slice %arg6[%dma_wait3A_134, %dma_wait3A_140] : memref<8x512xi32, #tpu.memory_space<vmem>> -> memref<1x512xi32, #tpu.memory_space<vmem>>
    %dma_wait3A_142 = tpu.memref_squeeze %dma_wait3A_141 : memref<1x512xi32, #tpu.memory_space<vmem>> -> memref<512xi32, #tpu.memory_space<vmem>>
    %dma_wait3A_143 = tpu.memref_slice %arg3[%dma_wait3A_133, %mul3A_2] : memref<8x16384xi32, #tpu.memory_space<hbm>> -> memref<1x512xi32, #tpu.memory_space<hbm>>
    %dma_wait3A_144 = tpu.memref_squeeze %dma_wait3A_143 : memref<1x512xi32, #tpu.memory_space<hbm>> -> memref<512xi32, #tpu.memory_space<hbm>>
    tpu.wait_dma2 semaphore(%arg8 : memref<!tpu.dma_semaphore, #tpu.memory_space<semaphore_mem>>) src(%dma_wait3A_144 : memref<512xi32, #tpu.memory_space<hbm>>) dst(%dma_wait3A_142 : memref<512xi32, #tpu.memory_space<vmem>>)
    %dma_wait3A_145 = arith.constant 4 : i32
    %dma_wait3A_146 = arith.constant 4 : i32
    %dma_wait3A_147 = arith.constant 0 : i32
    %dma_wait3A_148 = tpu.memref_slice %arg6[%dma_wait3A_146, %dma_wait3A_147] : memref<8x512xi32, #tpu.memory_space<vmem>> -> memref<1x512xi32, #tpu.memory_space<vmem>>
    %dma_wait3A_149 = tpu.memref_squeeze %dma_wait3A_148 : memref<1x512xi32, #tpu.memory_space<vmem>> -> memref<512xi32, #tpu.memory_space<vmem>>
    %dma_wait3A_150 = tpu.memref_slice %arg3[%dma_wait3A_145, %mul3A_2] : memref<8x16384xi32, #tpu.memory_space<hbm>> -> memref<1x512xi32, #tpu.memory_space<hbm>>
    %dma_wait3A_151 = tpu.memref_squeeze %dma_wait3A_150 : memref<1x512xi32, #tpu.memory_space<hbm>> -> memref<512xi32, #tpu.memory_space<hbm>>
    %dma_wait3A_152 = arith.constant 0 : i32
    %dma_wait3A_153 = tpu.memref_slice %arg6[%dma_wait3A_146, %dma_wait3A_152] : memref<8x512xi32, #tpu.memory_space<vmem>> -> memref<1x512xi32, #tpu.memory_space<vmem>>
    %dma_wait3A_154 = tpu.memref_squeeze %dma_wait3A_153 : memref<1x512xi32, #tpu.memory_space<vmem>> -> memref<512xi32, #tpu.memory_space<vmem>>
    %dma_wait3A_155 = tpu.memref_slice %arg3[%dma_wait3A_145, %mul3A_2] : memref<8x16384xi32, #tpu.memory_space<hbm>> -> memref<1x512xi32, #tpu.memory_space<hbm>>
    %dma_wait3A_156 = tpu.memref_squeeze %dma_wait3A_155 : memref<1x512xi32, #tpu.memory_space<hbm>> -> memref<512xi32, #tpu.memory_space<hbm>>
    tpu.wait_dma2 semaphore(%arg8 : memref<!tpu.dma_semaphore, #tpu.memory_space<semaphore_mem>>) src(%dma_wait3A_156 : memref<512xi32, #tpu.memory_space<hbm>>) dst(%dma_wait3A_154 : memref<512xi32, #tpu.memory_space<vmem>>)
    %dma_wait3A_157 = arith.constant 5 : i32
    %dma_wait3A_158 = arith.constant 5 : i32
    %dma_wait3A_159 = arith.constant 0 : i32
    %dma_wait3A_160 = tpu.memref_slice %arg6[%dma_wait3A_158, %dma_wait3A_159] : memref<8x512xi32, #tpu.memory_space<vmem>> -> memref<1x512xi32, #tpu.memory_space<vmem>>
    %dma_wait3A_161 = tpu.memref_squeeze %dma_wait3A_160 : memref<1x512xi32, #tpu.memory_space<vmem>> -> memref<512xi32, #tpu.memory_space<vmem>>
    %dma_wait3A_162 = tpu.memref_slice %arg3[%dma_wait3A_157, %mul3A_2] : memref<8x16384xi32, #tpu.memory_space<hbm>> -> memref<1x512xi32, #tpu.memory_space<hbm>>
    %dma_wait3A_163 = tpu.memref_squeeze %dma_wait3A_162 : memref<1x512xi32, #tpu.memory_space<hbm>> -> memref<512xi32, #tpu.memory_space<hbm>>
    %dma_wait3A_164 = arith.constant 0 : i32
    %dma_wait3A_165 = tpu.memref_slice %arg6[%dma_wait3A_158, %dma_wait3A_164] : memref<8x512xi32, #tpu.memory_space<vmem>> -> memref<1x512xi32, #tpu.memory_space<vmem>>
    %dma_wait3A_166 = tpu.memref_squeeze %dma_wait3A_165 : memref<1x512xi32, #tpu.memory_space<vmem>> -> memref<512xi32, #tpu.memory_space<vmem>>
    %dma_wait3A_167 = tpu.memref_slice %arg3[%dma_wait3A_157, %mul3A_2] : memref<8x16384xi32, #tpu.memory_space<hbm>> -> memref<1x512xi32, #tpu.memory_space<hbm>>
    %dma_wait3A_168 = tpu.memref_squeeze %dma_wait3A_167 : memref<1x512xi32, #tpu.memory_space<hbm>> -> memref<512xi32, #tpu.memory_space<hbm>>
    tpu.wait_dma2 semaphore(%arg8 : memref<!tpu.dma_semaphore, #tpu.memory_space<semaphore_mem>>) src(%dma_wait3A_168 : memref<512xi32, #tpu.memory_space<hbm>>) dst(%dma_wait3A_166 : memref<512xi32, #tpu.memory_space<vmem>>)
    %dma_wait3A_169 = arith.constant 6 : i32
    %dma_wait3A_170 = arith.constant 6 : i32
    %dma_wait3A_171 = arith.constant 0 : i32
    %dma_wait3A_172 = tpu.memref_slice %arg6[%dma_wait3A_170, %dma_wait3A_171] : memref<8x512xi32, #tpu.memory_space<vmem>> -> memref<1x512xi32, #tpu.memory_space<vmem>>
    %dma_wait3A_173 = tpu.memref_squeeze %dma_wait3A_172 : memref<1x512xi32, #tpu.memory_space<vmem>> -> memref<512xi32, #tpu.memory_space<vmem>>
    %dma_wait3A_174 = tpu.memref_slice %arg3[%dma_wait3A_169, %mul3A_2] : memref<8x16384xi32, #tpu.memory_space<hbm>> -> memref<1x512xi32, #tpu.memory_space<hbm>>
    %dma_wait3A_175 = tpu.memref_squeeze %dma_wait3A_174 : memref<1x512xi32, #tpu.memory_space<hbm>> -> memref<512xi32, #tpu.memory_space<hbm>>
    %dma_wait3A_176 = arith.constant 0 : i32
    %dma_wait3A_177 = tpu.memref_slice %arg6[%dma_wait3A_170, %dma_wait3A_176] : memref<8x512xi32, #tpu.memory_space<vmem>> -> memref<1x512xi32, #tpu.memory_space<vmem>>
    %dma_wait3A_178 = tpu.memref_squeeze %dma_wait3A_177 : memref<1x512xi32, #tpu.memory_space<vmem>> -> memref<512xi32, #tpu.memory_space<vmem>>
    %dma_wait3A_179 = tpu.memref_slice %arg3[%dma_wait3A_169, %mul3A_2] : memref<8x16384xi32, #tpu.memory_space<hbm>> -> memref<1x512xi32, #tpu.memory_space<hbm>>
    %dma_wait3A_180 = tpu.memref_squeeze %dma_wait3A_179 : memref<1x512xi32, #tpu.memory_space<hbm>> -> memref<512xi32, #tpu.memory_space<hbm>>
    tpu.wait_dma2 semaphore(%arg8 : memref<!tpu.dma_semaphore, #tpu.memory_space<semaphore_mem>>) src(%dma_wait3A_180 : memref<512xi32, #tpu.memory_space<hbm>>) dst(%dma_wait3A_178 : memref<512xi32, #tpu.memory_space<vmem>>)
    %dma_wait3A_181 = arith.constant 7 : i32
    %dma_wait3A_182 = arith.constant 7 : i32
    %dma_wait3A_183 = arith.constant 0 : i32
    %dma_wait3A_184 = tpu.memref_slice %arg6[%dma_wait3A_182, %dma_wait3A_183] : memref<8x512xi32, #tpu.memory_space<vmem>> -> memref<1x512xi32, #tpu.memory_space<vmem>>
    %dma_wait3A_185 = tpu.memref_squeeze %dma_wait3A_184 : memref<1x512xi32, #tpu.memory_space<vmem>> -> memref<512xi32, #tpu.memory_space<vmem>>
    %dma_wait3A_186 = tpu.memref_slice %arg3[%dma_wait3A_181, %mul3A_2] : memref<8x16384xi32, #tpu.memory_space<hbm>> -> memref<1x512xi32, #tpu.memory_space<hbm>>
    %dma_wait3A_187 = tpu.memref_squeeze %dma_wait3A_186 : memref<1x512xi32, #tpu.memory_space<hbm>> -> memref<512xi32, #tpu.memory_space<hbm>>
    %dma_wait3A_188 = arith.constant 0 : i32
    %dma_wait3A_189 = tpu.memref_slice %arg6[%dma_wait3A_182, %dma_wait3A_188] : memref<8x512xi32, #tpu.memory_space<vmem>> -> memref<1x512xi32, #tpu.memory_space<vmem>>
    %dma_wait3A_190 = tpu.memref_squeeze %dma_wait3A_189 : memref<1x512xi32, #tpu.memory_space<vmem>> -> memref<512xi32, #tpu.memory_space<vmem>>
    %dma_wait3A_191 = tpu.memref_slice %arg3[%dma_wait3A_181, %mul3A_2] : memref<8x16384xi32, #tpu.memory_space<hbm>> -> memref<1x512xi32, #tpu.memory_space<hbm>>
    %dma_wait3A_192 = tpu.memref_squeeze %dma_wait3A_191 : memref<1x512xi32, #tpu.memory_space<hbm>> -> memref<512xi32, #tpu.memory_space<hbm>>
    tpu.wait_dma2 semaphore(%arg8 : memref<!tpu.dma_semaphore, #tpu.memory_space<semaphore_mem>>) src(%dma_wait3A_192 : memref<512xi32, #tpu.memory_space<hbm>>) dst(%dma_wait3A_190 : memref<512xi32, #tpu.memory_space<vmem>>)
    %iota3A = tpu.iota {dimensions = array<i32: 0>} : vector<16xi32>
    %scan3A = arith.constant 0 : i32
    %scan3A_193 = arith.constant 0 : i32
    %scan3A_194 = arith.constant 32 : i32
    %scan3A_195 = arith.addi %scan3A_193, %scan3A_194 : i32
    %scan3A_196 = arith.constant 1 : i32
    scf.for %scan3A_200 = %scan3A_193 to %scan3A_195 step %scan3A_196  : i32 {
      %mul3A_201 = arith.constant 16 : i32
      %mul3A_202 = arith.muli %scan3A_200, %mul3A_201 : i32
      %get3A = arith.constant 0 : i32
      %get3A_203 = arith.index_cast %get3A : i32 to index
      %get3A_204 = arith.index_cast %mul3A_202 : i32 to index
      %get3A_205 = tpu.vector_load %arg6[%get3A_203, %get3A_204] {strides = array<i32>} : memref<8x512xi32, #tpu.memory_space<vmem>>, vector<16xi32>,
      %get3A_206 = arith.constant 1 : i32
      %get3A_207 = arith.index_cast %get3A_206 : i32 to index
      %get3A_208 = arith.index_cast %mul3A_202 : i32 to index
      %get3A_209 = tpu.vector_load %arg6[%get3A_207, %get3A_208] {strides = array<i32>} : memref<8x512xi32, #tpu.memory_space<vmem>>, vector<16xi32>,
      %get3A_210 = arith.constant 2 : i32
      %get3A_211 = arith.index_cast %get3A_210 : i32 to index
      %get3A_212 = arith.index_cast %mul3A_202 : i32 to index
      %get3A_213 = tpu.vector_load %arg6[%get3A_211, %get3A_212] {strides = array<i32>} : memref<8x512xi32, #tpu.memory_space<vmem>>, vector<16xi32>,
      %get3A_214 = arith.constant 3 : i32
      %get3A_215 = arith.index_cast %get3A_214 : i32 to index
      %get3A_216 = arith.index_cast %mul3A_202 : i32 to index
      %get3A_217 = tpu.vector_load %arg6[%get3A_215, %get3A_216] {strides = array<i32>} : memref<8x512xi32, #tpu.memory_space<vmem>>, vector<16xi32>,
      %get3A_218 = arith.constant 4 : i32
      %get3A_219 = arith.index_cast %get3A_218 : i32 to index
      %get3A_220 = arith.index_cast %mul3A_202 : i32 to index
      %get3A_221 = tpu.vector_load %arg6[%get3A_219, %get3A_220] {strides = array<i32>} : memref<8x512xi32, #tpu.memory_space<vmem>>, vector<16xi32>,
      %get3A_222 = arith.constant 5 : i32
      %get3A_223 = arith.index_cast %get3A_222 : i32 to index
      %get3A_224 = arith.index_cast %mul3A_202 : i32 to index
      %get3A_225 = tpu.vector_load %arg6[%get3A_223, %get3A_224] {strides = array<i32>} : memref<8x512xi32, #tpu.memory_space<vmem>>, vector<16xi32>,
      %get3A_226 = arith.constant 6 : i32
      %get3A_227 = arith.index_cast %get3A_226 : i32 to index
      %get3A_228 = arith.index_cast %mul3A_202 : i32 to index
      %get3A_229 = tpu.vector_load %arg6[%get3A_227, %get3A_228] {strides = array<i32>} : memref<8x512xi32, #tpu.memory_space<vmem>>, vector<16xi32>,
      %get3A_230 = arith.constant 7 : i32
      %get3A_231 = arith.index_cast %get3A_230 : i32 to index
      %get3A_232 = arith.index_cast %mul3A_202 : i32 to index
      %get3A_233 = tpu.vector_load %arg6[%get3A_231, %get3A_232] {strides = array<i32>} : memref<8x512xi32, #tpu.memory_space<vmem>>, vector<16xi32>,
      %mul3A_234 = arith.constant 34 : i32
      %mul3A_235 = vector.broadcast %mul3A_234 : i32 to vector<16xi32>
      %mul3A_236 = arith.muli %get3A_205, %mul3A_235 : vector<16xi32>
      %add3A_237 = arith.addi %mul3A_236, %get3A_209 : vector<16xi32>
      %mul3A_238 = arith.constant 34 : i32
      %mul3A_239 = vector.broadcast %mul3A_238 : i32 to vector<16xi32>
      %mul3A_240 = arith.muli %get3A_213, %mul3A_239 : vector<16xi32>
      %add3A_241 = arith.addi %mul3A_240, %get3A_217 : vector<16xi32>
      %mul3A_242 = arith.constant 34 : i32
      %mul3A_243 = vector.broadcast %mul3A_242 : i32 to vector<16xi32>
      %mul3A_244 = arith.muli %get3A_221, %mul3A_243 : vector<16xi32>
      %add3A_245 = arith.addi %mul3A_244, %get3A_225 : vector<16xi32>
      %mul3A_246 = arith.constant 34 : i32
      %mul3A_247 = vector.broadcast %mul3A_246 : i32 to vector<16xi32>
      %mul3A_248 = arith.muli %get3A_229, %mul3A_247 : vector<16xi32>
      %add3A_249 = arith.addi %mul3A_248, %get3A_233 : vector<16xi32>
      %add3A_250 = vector.broadcast %mul3A_202 : i32 to vector<16xi32>
      %add3A_251 = arith.addi %add3A_250, %iota3A : vector<16xi32>
      %mul3A_252 = arith.constant 34 : i32
      %mul3A_253 = vector.broadcast %mul3A_252 : i32 to vector<16xi32>
      %mul3A_254 = arith.muli %add3A_251, %mul3A_253 : vector<16xi32>
      %mul3A_255 = arith.constant 34 : i32
      %mul3A_256 = vector.broadcast %mul3A_255 : i32 to vector<16xi32>
      %mul3A_257 = arith.muli %add3A_237, %mul3A_256 : vector<16xi32>
      %mul3A_258 = arith.constant 34 : i32
      %mul3A_259 = vector.broadcast %mul3A_258 : i32 to vector<16xi32>
      %mul3A_260 = arith.muli %add3A_241, %mul3A_259 : vector<16xi32>
      %mul3A_261 = arith.constant 34 : i32
      %mul3A_262 = vector.broadcast %mul3A_261 : i32 to vector<16xi32>
      %mul3A_263 = arith.muli %add3A_245, %mul3A_262 : vector<16xi32>
      %mul3A_264 = arith.constant 34 : i32
      %mul3A_265 = vector.broadcast %mul3A_264 : i32 to vector<16xi32>
      %mul3A_266 = arith.muli %add3A_249, %mul3A_265 : vector<16xi32>
      %add3A_267 = arith.constant 0 : i32
      %add3A_268 = vector.broadcast %add3A_267 : i32 to vector<16xi32>
      %add3A_269 = arith.addi %mul3A_257, %add3A_268 : vector<16xi32>
      %gather3A = tpu.vector_load_idx %arg5[%add3A_269] : memref<39304xf32, #tpu.memory_space<vmem>>[vector<16xi32>], vector<16xf32>,
      %add3A_270 = arith.constant 0 : i32
      %add3A_271 = vector.broadcast %add3A_270 : i32 to vector<16xi32>
      %add3A_272 = arith.addi %mul3A_260, %add3A_271 : vector<16xi32>
      %gather3A_273 = tpu.vector_load_idx %arg5[%add3A_272] : memref<39304xf32, #tpu.memory_space<vmem>>[vector<16xi32>], vector<16xf32>,
      %add3A_274 = arith.constant 0 : i32
      %add3A_275 = vector.broadcast %add3A_274 : i32 to vector<16xi32>
      %add3A_276 = arith.addi %mul3A_263, %add3A_275 : vector<16xi32>
      %gather3A_277 = tpu.vector_load_idx %arg5[%add3A_276] : memref<39304xf32, #tpu.memory_space<vmem>>[vector<16xi32>], vector<16xf32>,
      %add3A_278 = arith.constant 0 : i32
      %add3A_279 = vector.broadcast %add3A_278 : i32 to vector<16xi32>
      %add3A_280 = arith.addi %mul3A_266, %add3A_279 : vector<16xi32>
      %gather3A_281 = tpu.vector_load_idx %arg5[%add3A_280] : memref<39304xf32, #tpu.memory_space<vmem>>[vector<16xi32>], vector<16xf32>,
      %add3A_282 = arith.constant 0 : i32
      %add3A_283 = vector.broadcast %add3A_282 : i32 to vector<16xi32>
      %add3A_284 = arith.addi %mul3A_254, %add3A_283 : vector<16xi32>
      %add3A_285 = arith.addf %gather3A, %gather3A_273 : vector<16xf32>
      %add3A_286 = arith.addf %gather3A_277, %gather3A_281 : vector<16xf32>
      %add3A_287 = arith.addf %add3A_285, %add3A_286 : vector<16xf32>
      tpu.vector_store_idx %arg7[%add3A_284], %add3A_287 : memref<17408xf32, #tpu.memory_space<vmem>>[vector<16xi32>], vector<16xf32>,
      %add3A_288 = arith.constant 1 : i32
      %add3A_289 = vector.broadcast %add3A_288 : i32 to vector<16xi32>
      %add3A_290 = arith.addi %mul3A_257, %add3A_289 : vector<16xi32>
      %gather3A_291 = tpu.vector_load_idx %arg5[%add3A_290] : memref<39304xf32, #tpu.memory_space<vmem>>[vector<16xi32>], vector<16xf32>,
      %add3A_292 = arith.constant 1 : i32
      %add3A_293 = vector.broadcast %add3A_292 : i32 to vector<16xi32>
      %add3A_294 = arith.addi %mul3A_260, %add3A_293 : vector<16xi32>
      %gather3A_295 = tpu.vector_load_idx %arg5[%add3A_294] : memref<39304xf32, #tpu.memory_space<vmem>>[vector<16xi32>], vector<16xf32>,
      %add3A_296 = arith.constant 1 : i32
      %add3A_297 = vector.broadcast %add3A_296 : i32 to vector<16xi32>
      %add3A_298 = arith.addi %mul3A_263, %add3A_297 : vector<16xi32>
      %gather3A_299 = tpu.vector_load_idx %arg5[%add3A_298] : memref<39304xf32, #tpu.memory_space<vmem>>[vector<16xi32>], vector<16xf32>,
      %add3A_300 = arith.constant 1 : i32
      %add3A_301 = vector.broadcast %add3A_300 : i32 to vector<16xi32>
      %add3A_302 = arith.addi %mul3A_266, %add3A_301 : vector<16xi32>
      %gather3A_303 = tpu.vector_load_idx %arg5[%add3A_302] : memref<39304xf32, #tpu.memory_space<vmem>>[vector<16xi32>], vector<16xf32>,
      %add3A_304 = arith.constant 1 : i32
      %add3A_305 = vector.broadcast %add3A_304 : i32 to vector<16xi32>
      %add3A_306 = arith.addi %mul3A_254, %add3A_305 : vector<16xi32>
      %add3A_307 = arith.addf %gather3A_291, %gather3A_295 : vector<16xf32>
      %add3A_308 = arith.addf %gather3A_299, %gather3A_303 : vector<16xf32>
      %add3A_309 = arith.addf %add3A_307, %add3A_308 : vector<16xf32>
      tpu.vector_store_idx %arg7[%add3A_306], %add3A_309 : memref<17408xf32, #tpu.memory_space<vmem>>[vector<16xi32>], vector<16xf32>,
      %add3A_310 = arith.constant 2 : i32
      %add3A_311 = vector.broadcast %add3A_310 : i32 to vector<16xi32>
      %add3A_312 = arith.addi %mul3A_257, %add3A_311 : vector<16xi32>
      %gather3A_313 = tpu.vector_load_idx %arg5[%add3A_312] : memref<39304xf32, #tpu.memory_space<vmem>>[vector<16xi32>], vector<16xf32>,
      %add3A_314 = arith.constant 2 : i32
      %add3A_315 = vector.broadcast %add3A_314 : i32 to vector<16xi32>
      %add3A_316 = arith.addi %mul3A_260, %add3A_315 : vector<16xi32>
      %gather3A_317 = tpu.vector_load_idx %arg5[%add3A_316] : memref<39304xf32, #tpu.memory_space<vmem>>[vector<16xi32>], vector<16xf32>,
      %add3A_318 = arith.constant 2 : i32
      %add3A_319 = vector.broadcast %add3A_318 : i32 to vector<16xi32>
      %add3A_320 = arith.addi %mul3A_263, %add3A_319 : vector<16xi32>
      %gather3A_321 = tpu.vector_load_idx %arg5[%add3A_320] : memref<39304xf32, #tpu.memory_space<vmem>>[vector<16xi32>], vector<16xf32>,
      %add3A_322 = arith.constant 2 : i32
      %add3A_323 = vector.broadcast %add3A_322 : i32 to vector<16xi32>
      %add3A_324 = arith.addi %mul3A_266, %add3A_323 : vector<16xi32>
      %gather3A_325 = tpu.vector_load_idx %arg5[%add3A_324] : memref<39304xf32, #tpu.memory_space<vmem>>[vector<16xi32>], vector<16xf32>,
      %add3A_326 = arith.constant 2 : i32
      %add3A_327 = vector.broadcast %add3A_326 : i32 to vector<16xi32>
      %add3A_328 = arith.addi %mul3A_254, %add3A_327 : vector<16xi32>
      %add3A_329 = arith.addf %gather3A_313, %gather3A_317 : vector<16xf32>
      %add3A_330 = arith.addf %gather3A_321, %gather3A_325 : vector<16xf32>
      %add3A_331 = arith.addf %add3A_329, %add3A_330 : vector<16xf32>
      tpu.vector_store_idx %arg7[%add3A_328], %add3A_331 : memref<17408xf32, #tpu.memory_space<vmem>>[vector<16xi32>], vector<16xf32>,
      %add3A_332 = arith.constant 3 : i32
      %add3A_333 = vector.broadcast %add3A_332 : i32 to vector<16xi32>
      %add3A_334 = arith.addi %mul3A_257, %add3A_333 : vector<16xi32>
      %gather3A_335 = tpu.vector_load_idx %arg5[%add3A_334] : memref<39304xf32, #tpu.memory_space<vmem>>[vector<16xi32>], vector<16xf32>,
      %add3A_336 = arith.constant 3 : i32
      %add3A_337 = vector.broadcast %add3A_336 : i32 to vector<16xi32>
      %add3A_338 = arith.addi %mul3A_260, %add3A_337 : vector<16xi32>
      %gather3A_339 = tpu.vector_load_idx %arg5[%add3A_338] : memref<39304xf32, #tpu.memory_space<vmem>>[vector<16xi32>], vector<16xf32>,
      %add3A_340 = arith.constant 3 : i32
      %add3A_341 = vector.broadcast %add3A_340 : i32 to vector<16xi32>
      %add3A_342 = arith.addi %mul3A_263, %add3A_341 : vector<16xi32>
      %gather3A_343 = tpu.vector_load_idx %arg5[%add3A_342] : memref<39304xf32, #tpu.memory_space<vmem>>[vector<16xi32>], vector<16xf32>,
      %add3A_344 = arith.constant 3 : i32
      %add3A_345 = vector.broadcast %add3A_344 : i32 to vector<16xi32>
      %add3A_346 = arith.addi %mul3A_266, %add3A_345 : vector<16xi32>
      %gather3A_347 = tpu.vector_load_idx %arg5[%add3A_346] : memref<39304xf32, #tpu.memory_space<vmem>>[vector<16xi32>], vector<16xf32>,
      %add3A_348 = arith.constant 3 : i32
      %add3A_349 = vector.broadcast %add3A_348 : i32 to vector<16xi32>
      %add3A_350 = arith.addi %mul3A_254, %add3A_349 : vector<16xi32>
      %add3A_351 = arith.addf %gather3A_335, %gather3A_339 : vector<16xf32>
      %add3A_352 = arith.addf %gather3A_343, %gather3A_347 : vector<16xf32>
      %add3A_353 = arith.addf %add3A_351, %add3A_352 : vector<16xf32>
      tpu.vector_store_idx %arg7[%add3A_350], %add3A_353 : memref<17408xf32, #tpu.memory_space<vmem>>[vector<16xi32>], vector<16xf32>,
      %add3A_354 = arith.constant 4 : i32
      %add3A_355 = vector.broadcast %add3A_354 : i32 to vector<16xi32>
      %add3A_356 = arith.addi %mul3A_257, %add3A_355 : vector<16xi32>
      %gather3A_357 = tpu.vector_load_idx %arg5[%add3A_356] : memref<39304xf32, #tpu.memory_space<vmem>>[vector<16xi32>], vector<16xf32>,
      %add3A_358 = arith.constant 4 : i32
      %add3A_359 = vector.broadcast %add3A_358 : i32 to vector<16xi32>
      %add3A_360 = arith.addi %mul3A_260, %add3A_359 : vector<16xi32>
      %gather3A_361 = tpu.vector_load_idx %arg5[%add3A_360] : memref<39304xf32, #tpu.memory_space<vmem>>[vector<16xi32>], vector<16xf32>,
      %add3A_362 = arith.constant 4 : i32
      %add3A_363 = vector.broadcast %add3A_362 : i32 to vector<16xi32>
      %add3A_364 = arith.addi %mul3A_263, %add3A_363 : vector<16xi32>
      %gather3A_365 = tpu.vector_load_idx %arg5[%add3A_364] : memref<39304xf32, #tpu.memory_space<vmem>>[vector<16xi32>], vector<16xf32>,
      %add3A_366 = arith.constant 4 : i32
      %add3A_367 = vector.broadcast %add3A_366 : i32 to vector<16xi32>
      %add3A_368 = arith.addi %mul3A_266, %add3A_367 : vector<16xi32>
      %gather3A_369 = tpu.vector_load_idx %arg5[%add3A_368] : memref<39304xf32, #tpu.memory_space<vmem>>[vector<16xi32>], vector<16xf32>,
      %add3A_370 = arith.constant 4 : i32
      %add3A_371 = vector.broadcast %add3A_370 : i32 to vector<16xi32>
      %add3A_372 = arith.addi %mul3A_254, %add3A_371 : vector<16xi32>
      %add3A_373 = arith.addf %gather3A_357, %gather3A_361 : vector<16xf32>
      %add3A_374 = arith.addf %gather3A_365, %gather3A_369 : vector<16xf32>
      %add3A_375 = arith.addf %add3A_373, %add3A_374 : vector<16xf32>
      tpu.vector_store_idx %arg7[%add3A_372], %add3A_375 : memref<17408xf32, #tpu.memory_space<vmem>>[vector<16xi32>], vector<16xf32>,
      %add3A_376 = arith.constant 5 : i32
      %add3A_377 = vector.broadcast %add3A_376 : i32 to vector<16xi32>
      %add3A_378 = arith.addi %mul3A_257, %add3A_377 : vector<16xi32>
      %gather3A_379 = tpu.vector_load_idx %arg5[%add3A_378] : memref<39304xf32, #tpu.memory_space<vmem>>[vector<16xi32>], vector<16xf32>,
      %add3A_380 = arith.constant 5 : i32
      %add3A_381 = vector.broadcast %add3A_380 : i32 to vector<16xi32>
      %add3A_382 = arith.addi %mul3A_260, %add3A_381 : vector<16xi32>
      %gather3A_383 = tpu.vector_load_idx %arg5[%add3A_382] : memref<39304xf32, #tpu.memory_space<vmem>>[vector<16xi32>], vector<16xf32>,
      %add3A_384 = arith.constant 5 : i32
      %add3A_385 = vector.broadcast %add3A_384 : i32 to vector<16xi32>
      %add3A_386 = arith.addi %mul3A_263, %add3A_385 : vector<16xi32>
      %gather3A_387 = tpu.vector_load_idx %arg5[%add3A_386] : memref<39304xf32, #tpu.memory_space<vmem>>[vector<16xi32>], vector<16xf32>,
      %add3A_388 = arith.constant 5 : i32
      %add3A_389 = vector.broadcast %add3A_388 : i32 to vector<16xi32>
      %add3A_390 = arith.addi %mul3A_266, %add3A_389 : vector<16xi32>
      %gather3A_391 = tpu.vector_load_idx %arg5[%add3A_390] : memref<39304xf32, #tpu.memory_space<vmem>>[vector<16xi32>], vector<16xf32>,
      %add3A_392 = arith.constant 5 : i32
      %add3A_393 = vector.broadcast %add3A_392 : i32 to vector<16xi32>
      %add3A_394 = arith.addi %mul3A_254, %add3A_393 : vector<16xi32>
      %add3A_395 = arith.addf %gather3A_379, %gather3A_383 : vector<16xf32>
      %add3A_396 = arith.addf %gather3A_387, %gather3A_391 : vector<16xf32>
      %add3A_397 = arith.addf %add3A_395, %add3A_396 : vector<16xf32>
      tpu.vector_store_idx %arg7[%add3A_394], %add3A_397 : memref<17408xf32, #tpu.memory_space<vmem>>[vector<16xi32>], vector<16xf32>,
      %add3A_398 = arith.constant 6 : i32
      %add3A_399 = vector.broadcast %add3A_398 : i32 to vector<16xi32>
      %add3A_400 = arith.addi %mul3A_257, %add3A_399 : vector<16xi32>
      %gather3A_401 = tpu.vector_load_idx %arg5[%add3A_400] : memref<39304xf32, #tpu.memory_space<vmem>>[vector<16xi32>], vector<16xf32>,
      %add3A_402 = arith.constant 6 : i32
      %add3A_403 = vector.broadcast %add3A_402 : i32 to vector<16xi32>
      %add3A_404 = arith.addi %mul3A_260, %add3A_403 : vector<16xi32>
      %gather3A_405 = tpu.vector_load_idx %arg5[%add3A_404] : memref<39304xf32, #tpu.memory_space<vmem>>[vector<16xi32>], vector<16xf32>,
      %add3A_406 = arith.constant 6 : i32
      %add3A_407 = vector.broadcast %add3A_406 : i32 to vector<16xi32>
      %add3A_408 = arith.addi %mul3A_263, %add3A_407 : vector<16xi32>
      %gather3A_409 = tpu.vector_load_idx %arg5[%add3A_408] : memref<39304xf32, #tpu.memory_space<vmem>>[vector<16xi32>], vector<16xf32>,
      %add3A_410 = arith.constant 6 : i32
      %add3A_411 = vector.broadcast %add3A_410 : i32 to vector<16xi32>
      %add3A_412 = arith.addi %mul3A_266, %add3A_411 : vector<16xi32>
      %gather3A_413 = tpu.vector_load_idx %arg5[%add3A_412] : memref<39304xf32, #tpu.memory_space<vmem>>[vector<16xi32>], vector<16xf32>,
      %add3A_414 = arith.constant 6 : i32
      %add3A_415 = vector.broadcast %add3A_414 : i32 to vector<16xi32>
      %add3A_416 = arith.addi %mul3A_254, %add3A_415 : vector<16xi32>
      %add3A_417 = arith.addf %gather3A_401, %gather3A_405 : vector<16xf32>
      %add3A_418 = arith.addf %gather3A_409, %gather3A_413 : vector<16xf32>
      %add3A_419 = arith.addf %add3A_417, %add3A_418 : vector<16xf32>
      tpu.vector_store_idx %arg7[%add3A_416], %add3A_419 : memref<17408xf32, #tpu.memory_space<vmem>>[vector<16xi32>], vector<16xf32>,
      %add3A_420 = arith.constant 7 : i32
      %add3A_421 = vector.broadcast %add3A_420 : i32 to vector<16xi32>
      %add3A_422 = arith.addi %mul3A_257, %add3A_421 : vector<16xi32>
      %gather3A_423 = tpu.vector_load_idx %arg5[%add3A_422] : memref<39304xf32, #tpu.memory_space<vmem>>[vector<16xi32>], vector<16xf32>,
      %add3A_424 = arith.constant 7 : i32
      %add3A_425 = vector.broadcast %add3A_424 : i32 to vector<16xi32>
      %add3A_426 = arith.addi %mul3A_260, %add3A_425 : vector<16xi32>
      %gather3A_427 = tpu.vector_load_idx %arg5[%add3A_426] : memref<39304xf32, #tpu.memory_space<vmem>>[vector<16xi32>], vector<16xf32>,
      %add3A_428 = arith.constant 7 : i32
      %add3A_429 = vector.broadcast %add3A_428 : i32 to vector<16xi32>
      %add3A_430 = arith.addi %mul3A_263, %add3A_429 : vector<16xi32>
      %gather3A_431 = tpu.vector_load_idx %arg5[%add3A_430] : memref<39304xf32, #tpu.memory_space<vmem>>[vector<16xi32>], vector<16xf32>,
      %add3A_432 = arith.constant 7 : i32
      %add3A_433 = vector.broadcast %add3A_432 : i32 to vector<16xi32>
      %add3A_434 = arith.addi %mul3A_266, %add3A_433 : vector<16xi32>
      %gather3A_435 = tpu.vector_load_idx %arg5[%add3A_434] : memref<39304xf32, #tpu.memory_space<vmem>>[vector<16xi32>], vector<16xf32>,
      %add3A_436 = arith.constant 7 : i32
      %add3A_437 = vector.broadcast %add3A_436 : i32 to vector<16xi32>
      %add3A_438 = arith.addi %mul3A_254, %add3A_437 : vector<16xi32>
      %add3A_439 = arith.addf %gather3A_423, %gather3A_427 : vector<16xf32>
      %add3A_440 = arith.addf %gather3A_431, %gather3A_435 : vector<16xf32>
      %add3A_441 = arith.addf %add3A_439, %add3A_440 : vector<16xf32>
      tpu.vector_store_idx %arg7[%add3A_438], %add3A_441 : memref<17408xf32, #tpu.memory_space<vmem>>[vector<16xi32>], vector<16xf32>,
      %add3A_442 = arith.constant 8 : i32
      %add3A_443 = vector.broadcast %add3A_442 : i32 to vector<16xi32>
      %add3A_444 = arith.addi %mul3A_257, %add3A_443 : vector<16xi32>
      %gather3A_445 = tpu.vector_load_idx %arg5[%add3A_444] : memref<39304xf32, #tpu.memory_space<vmem>>[vector<16xi32>], vector<16xf32>,
      %add3A_446 = arith.constant 8 : i32
      %add3A_447 = vector.broadcast %add3A_446 : i32 to vector<16xi32>
      %add3A_448 = arith.addi %mul3A_260, %add3A_447 : vector<16xi32>
      %gather3A_449 = tpu.vector_load_idx %arg5[%add3A_448] : memref<39304xf32, #tpu.memory_space<vmem>>[vector<16xi32>], vector<16xf32>,
      %add3A_450 = arith.constant 8 : i32
      %add3A_451 = vector.broadcast %add3A_450 : i32 to vector<16xi32>
      %add3A_452 = arith.addi %mul3A_263, %add3A_451 : vector<16xi32>
      %gather3A_453 = tpu.vector_load_idx %arg5[%add3A_452] : memref<39304xf32, #tpu.memory_space<vmem>>[vector<16xi32>], vector<16xf32>,
      %add3A_454 = arith.constant 8 : i32
      %add3A_455 = vector.broadcast %add3A_454 : i32 to vector<16xi32>
      %add3A_456 = arith.addi %mul3A_266, %add3A_455 : vector<16xi32>
      %gather3A_457 = tpu.vector_load_idx %arg5[%add3A_456] : memref<39304xf32, #tpu.memory_space<vmem>>[vector<16xi32>], vector<16xf32>,
      %add3A_458 = arith.constant 8 : i32
      %add3A_459 = vector.broadcast %add3A_458 : i32 to vector<16xi32>
      %add3A_460 = arith.addi %mul3A_254, %add3A_459 : vector<16xi32>
      %add3A_461 = arith.addf %gather3A_445, %gather3A_449 : vector<16xf32>
      %add3A_462 = arith.addf %gather3A_453, %gather3A_457 : vector<16xf32>
      %add3A_463 = arith.addf %add3A_461, %add3A_462 : vector<16xf32>
      tpu.vector_store_idx %arg7[%add3A_460], %add3A_463 : memref<17408xf32, #tpu.memory_space<vmem>>[vector<16xi32>], vector<16xf32>,
      %add3A_464 = arith.constant 9 : i32
      %add3A_465 = vector.broadcast %add3A_464 : i32 to vector<16xi32>
      %add3A_466 = arith.addi %mul3A_257, %add3A_465 : vector<16xi32>
      %gather3A_467 = tpu.vector_load_idx %arg5[%add3A_466] : memref<39304xf32, #tpu.memory_space<vmem>>[vector<16xi32>], vector<16xf32>,
      %add3A_468 = arith.constant 9 : i32
      %add3A_469 = vector.broadcast %add3A_468 : i32 to vector<16xi32>
      %add3A_470 = arith.addi %mul3A_260, %add3A_469 : vector<16xi32>
      %gather3A_471 = tpu.vector_load_idx %arg5[%add3A_470] : memref<39304xf32, #tpu.memory_space<vmem>>[vector<16xi32>], vector<16xf32>,
      %add3A_472 = arith.constant 9 : i32
      %add3A_473 = vector.broadcast %add3A_472 : i32 to vector<16xi32>
      %add3A_474 = arith.addi %mul3A_263, %add3A_473 : vector<16xi32>
      %gather3A_475 = tpu.vector_load_idx %arg5[%add3A_474] : memref<39304xf32, #tpu.memory_space<vmem>>[vector<16xi32>], vector<16xf32>,
      %add3A_476 = arith.constant 9 : i32
      %add3A_477 = vector.broadcast %add3A_476 : i32 to vector<16xi32>
      %add3A_478 = arith.addi %mul3A_266, %add3A_477 : vector<16xi32>
      %gather3A_479 = tpu.vector_load_idx %arg5[%add3A_478] : memref<39304xf32, #tpu.memory_space<vmem>>[vector<16xi32>], vector<16xf32>,
      %add3A_480 = arith.constant 9 : i32
      %add3A_481 = vector.broadcast %add3A_480 : i32 to vector<16xi32>
      %add3A_482 = arith.addi %mul3A_254, %add3A_481 : vector<16xi32>
      %add3A_483 = arith.addf %gather3A_467, %gather3A_471 : vector<16xf32>
      %add3A_484 = arith.addf %gather3A_475, %gather3A_479 : vector<16xf32>
      %add3A_485 = arith.addf %add3A_483, %add3A_484 : vector<16xf32>
      tpu.vector_store_idx %arg7[%add3A_482], %add3A_485 : memref<17408xf32, #tpu.memory_space<vmem>>[vector<16xi32>], vector<16xf32>,
      %add3A_486 = arith.constant 10 : i32
      %add3A_487 = vector.broadcast %add3A_486 : i32 to vector<16xi32>
      %add3A_488 = arith.addi %mul3A_257, %add3A_487 : vector<16xi32>
      %gather3A_489 = tpu.vector_load_idx %arg5[%add3A_488] : memref<39304xf32, #tpu.memory_space<vmem>>[vector<16xi32>], vector<16xf32>,
      %add3A_490 = arith.constant 10 : i32
      %add3A_491 = vector.broadcast %add3A_490 : i32 to vector<16xi32>
      %add3A_492 = arith.addi %mul3A_260, %add3A_491 : vector<16xi32>
      %gather3A_493 = tpu.vector_load_idx %arg5[%add3A_492] : memref<39304xf32, #tpu.memory_space<vmem>>[vector<16xi32>], vector<16xf32>,
      %add3A_494 = arith.constant 10 : i32
      %add3A_495 = vector.broadcast %add3A_494 : i32 to vector<16xi32>
      %add3A_496 = arith.addi %mul3A_263, %add3A_495 : vector<16xi32>
      %gather3A_497 = tpu.vector_load_idx %arg5[%add3A_496] : memref<39304xf32, #tpu.memory_space<vmem>>[vector<16xi32>], vector<16xf32>,
      %add3A_498 = arith.constant 10 : i32
      %add3A_499 = vector.broadcast %add3A_498 : i32 to vector<16xi32>
      %add3A_500 = arith.addi %mul3A_266, %add3A_499 : vector<16xi32>
      %gather3A_501 = tpu.vector_load_idx %arg5[%add3A_500] : memref<39304xf32, #tpu.memory_space<vmem>>[vector<16xi32>], vector<16xf32>,
      %add3A_502 = arith.constant 10 : i32
      %add3A_503 = vector.broadcast %add3A_502 : i32 to vector<16xi32>
      %add3A_504 = arith.addi %mul3A_254, %add3A_503 : vector<16xi32>
      %add3A_505 = arith.addf %gather3A_489, %gather3A_493 : vector<16xf32>
      %add3A_506 = arith.addf %gather3A_497, %gather3A_501 : vector<16xf32>
      %add3A_507 = arith.addf %add3A_505, %add3A_506 : vector<16xf32>
      tpu.vector_store_idx %arg7[%add3A_504], %add3A_507 : memref<17408xf32, #tpu.memory_space<vmem>>[vector<16xi32>], vector<16xf32>,
      %add3A_508 = arith.constant 11 : i32
      %add3A_509 = vector.broadcast %add3A_508 : i32 to vector<16xi32>
      %add3A_510 = arith.addi %mul3A_257, %add3A_509 : vector<16xi32>
      %gather3A_511 = tpu.vector_load_idx %arg5[%add3A_510] : memref<39304xf32, #tpu.memory_space<vmem>>[vector<16xi32>], vector<16xf32>,
      %add3A_512 = arith.constant 11 : i32
      %add3A_513 = vector.broadcast %add3A_512 : i32 to vector<16xi32>
      %add3A_514 = arith.addi %mul3A_260, %add3A_513 : vector<16xi32>
      %gather3A_515 = tpu.vector_load_idx %arg5[%add3A_514] : memref<39304xf32, #tpu.memory_space<vmem>>[vector<16xi32>], vector<16xf32>,
      %add3A_516 = arith.constant 11 : i32
      %add3A_517 = vector.broadcast %add3A_516 : i32 to vector<16xi32>
      %add3A_518 = arith.addi %mul3A_263, %add3A_517 : vector<16xi32>
      %gather3A_519 = tpu.vector_load_idx %arg5[%add3A_518] : memref<39304xf32, #tpu.memory_space<vmem>>[vector<16xi32>], vector<16xf32>,
      %add3A_520 = arith.constant 11 : i32
      %add3A_521 = vector.broadcast %add3A_520 : i32 to vector<16xi32>
      %add3A_522 = arith.addi %mul3A_266, %add3A_521 : vector<16xi32>
      %gather3A_523 = tpu.vector_load_idx %arg5[%add3A_522] : memref<39304xf32, #tpu.memory_space<vmem>>[vector<16xi32>], vector<16xf32>,
      %add3A_524 = arith.constant 11 : i32
      %add3A_525 = vector.broadcast %add3A_524 : i32 to vector<16xi32>
      %add3A_526 = arith.addi %mul3A_254, %add3A_525 : vector<16xi32>
      %add3A_527 = arith.addf %gather3A_511, %gather3A_515 : vector<16xf32>
      %add3A_528 = arith.addf %gather3A_519, %gather3A_523 : vector<16xf32>
      %add3A_529 = arith.addf %add3A_527, %add3A_528 : vector<16xf32>
      tpu.vector_store_idx %arg7[%add3A_526], %add3A_529 : memref<17408xf32, #tpu.memory_space<vmem>>[vector<16xi32>], vector<16xf32>,
      %add3A_530 = arith.constant 12 : i32
      %add3A_531 = vector.broadcast %add3A_530 : i32 to vector<16xi32>
      %add3A_532 = arith.addi %mul3A_257, %add3A_531 : vector<16xi32>
      %gather3A_533 = tpu.vector_load_idx %arg5[%add3A_532] : memref<39304xf32, #tpu.memory_space<vmem>>[vector<16xi32>], vector<16xf32>,
      %add3A_534 = arith.constant 12 : i32
      %add3A_535 = vector.broadcast %add3A_534 : i32 to vector<16xi32>
      %add3A_536 = arith.addi %mul3A_260, %add3A_535 : vector<16xi32>
      %gather3A_537 = tpu.vector_load_idx %arg5[%add3A_536] : memref<39304xf32, #tpu.memory_space<vmem>>[vector<16xi32>], vector<16xf32>,
      %add3A_538 = arith.constant 12 : i32
      %add3A_539 = vector.broadcast %add3A_538 : i32 to vector<16xi32>
      %add3A_540 = arith.addi %mul3A_263, %add3A_539 : vector<16xi32>
      %gather3A_541 = tpu.vector_load_idx %arg5[%add3A_540] : memref<39304xf32, #tpu.memory_space<vmem>>[vector<16xi32>], vector<16xf32>,
      %add3A_542 = arith.constant 12 : i32
      %add3A_543 = vector.broadcast %add3A_542 : i32 to vector<16xi32>
      %add3A_544 = arith.addi %mul3A_266, %add3A_543 : vector<16xi32>
      %gather3A_545 = tpu.vector_load_idx %arg5[%add3A_544] : memref<39304xf32, #tpu.memory_space<vmem>>[vector<16xi32>], vector<16xf32>,
      %add3A_546 = arith.constant 12 : i32
      %add3A_547 = vector.broadcast %add3A_546 : i32 to vector<16xi32>
      %add3A_548 = arith.addi %mul3A_254, %add3A_547 : vector<16xi32>
      %add3A_549 = arith.addf %gather3A_533, %gather3A_537 : vector<16xf32>
      %add3A_550 = arith.addf %gather3A_541, %gather3A_545 : vector<16xf32>
      %add3A_551 = arith.addf %add3A_549, %add3A_550 : vector<16xf32>
      tpu.vector_store_idx %arg7[%add3A_548], %add3A_551 : memref<17408xf32, #tpu.memory_space<vmem>>[vector<16xi32>], vector<16xf32>,
      %add3A_552 = arith.constant 13 : i32
      %add3A_553 = vector.broadcast %add3A_552 : i32 to vector<16xi32>
      %add3A_554 = arith.addi %mul3A_257, %add3A_553 : vector<16xi32>
      %gather3A_555 = tpu.vector_load_idx %arg5[%add3A_554] : memref<39304xf32, #tpu.memory_space<vmem>>[vector<16xi32>], vector<16xf32>,
      %add3A_556 = arith.constant 13 : i32
      %add3A_557 = vector.broadcast %add3A_556 : i32 to vector<16xi32>
      %add3A_558 = arith.addi %mul3A_260, %add3A_557 : vector<16xi32>
      %gather3A_559 = tpu.vector_load_idx %arg5[%add3A_558] : memref<39304xf32, #tpu.memory_space<vmem>>[vector<16xi32>], vector<16xf32>,
      %add3A_560 = arith.constant 13 : i32
      %add3A_561 = vector.broadcast %add3A_560 : i32 to vector<16xi32>
      %add3A_562 = arith.addi %mul3A_263, %add3A_561 : vector<16xi32>
      %gather3A_563 = tpu.vector_load_idx %arg5[%add3A_562] : memref<39304xf32, #tpu.memory_space<vmem>>[vector<16xi32>], vector<16xf32>,
      %add3A_564 = arith.constant 13 : i32
      %add3A_565 = vector.broadcast %add3A_564 : i32 to vector<16xi32>
      %add3A_566 = arith.addi %mul3A_266, %add3A_565 : vector<16xi32>
      %gather3A_567 = tpu.vector_load_idx %arg5[%add3A_566] : memref<39304xf32, #tpu.memory_space<vmem>>[vector<16xi32>], vector<16xf32>,
      %add3A_568 = arith.constant 13 : i32
      %add3A_569 = vector.broadcast %add3A_568 : i32 to vector<16xi32>
      %add3A_570 = arith.addi %mul3A_254, %add3A_569 : vector<16xi32>
      %add3A_571 = arith.addf %gather3A_555, %gather3A_559 : vector<16xf32>
      %add3A_572 = arith.addf %gather3A_563, %gather3A_567 : vector<16xf32>
      %add3A_573 = arith.addf %add3A_571, %add3A_572 : vector<16xf32>
      tpu.vector_store_idx %arg7[%add3A_570], %add3A_573 : memref<17408xf32, #tpu.memory_space<vmem>>[vector<16xi32>], vector<16xf32>,
      %add3A_574 = arith.constant 14 : i32
      %add3A_575 = vector.broadcast %add3A_574 : i32 to vector<16xi32>
      %add3A_576 = arith.addi %mul3A_257, %add3A_575 : vector<16xi32>
      %gather3A_577 = tpu.vector_load_idx %arg5[%add3A_576] : memref<39304xf32, #tpu.memory_space<vmem>>[vector<16xi32>], vector<16xf32>,
      %add3A_578 = arith.constant 14 : i32
      %add3A_579 = vector.broadcast %add3A_578 : i32 to vector<16xi32>
      %add3A_580 = arith.addi %mul3A_260, %add3A_579 : vector<16xi32>
      %gather3A_581 = tpu.vector_load_idx %arg5[%add3A_580] : memref<39304xf32, #tpu.memory_space<vmem>>[vector<16xi32>], vector<16xf32>,
      %add3A_582 = arith.constant 14 : i32
      %add3A_583 = vector.broadcast %add3A_582 : i32 to vector<16xi32>
      %add3A_584 = arith.addi %mul3A_263, %add3A_583 : vector<16xi32>
      %gather3A_585 = tpu.vector_load_idx %arg5[%add3A_584] : memref<39304xf32, #tpu.memory_space<vmem>>[vector<16xi32>], vector<16xf32>,
      %add3A_586 = arith.constant 14 : i32
      %add3A_587 = vector.broadcast %add3A_586 : i32 to vector<16xi32>
      %add3A_588 = arith.addi %mul3A_266, %add3A_587 : vector<16xi32>
      %gather3A_589 = tpu.vector_load_idx %arg5[%add3A_588] : memref<39304xf32, #tpu.memory_space<vmem>>[vector<16xi32>], vector<16xf32>,
      %add3A_590 = arith.constant 14 : i32
      %add3A_591 = vector.broadcast %add3A_590 : i32 to vector<16xi32>
      %add3A_592 = arith.addi %mul3A_254, %add3A_591 : vector<16xi32>
      %add3A_593 = arith.addf %gather3A_577, %gather3A_581 : vector<16xf32>
      %add3A_594 = arith.addf %gather3A_585, %gather3A_589 : vector<16xf32>
      %add3A_595 = arith.addf %add3A_593, %add3A_594 : vector<16xf32>
      tpu.vector_store_idx %arg7[%add3A_592], %add3A_595 : memref<17408xf32, #tpu.memory_space<vmem>>[vector<16xi32>], vector<16xf32>,
      %add3A_596 = arith.constant 15 : i32
      %add3A_597 = vector.broadcast %add3A_596 : i32 to vector<16xi32>
      %add3A_598 = arith.addi %mul3A_257, %add3A_597 : vector<16xi32>
      %gather3A_599 = tpu.vector_load_idx %arg5[%add3A_598] : memref<39304xf32, #tpu.memory_space<vmem>>[vector<16xi32>], vector<16xf32>,
      %add3A_600 = arith.constant 15 : i32
      %add3A_601 = vector.broadcast %add3A_600 : i32 to vector<16xi32>
      %add3A_602 = arith.addi %mul3A_260, %add3A_601 : vector<16xi32>
      %gather3A_603 = tpu.vector_load_idx %arg5[%add3A_602] : memref<39304xf32, #tpu.memory_space<vmem>>[vector<16xi32>], vector<16xf32>,
      %add3A_604 = arith.constant 15 : i32
      %add3A_605 = vector.broadcast %add3A_604 : i32 to vector<16xi32>
      %add3A_606 = arith.addi %mul3A_263, %add3A_605 : vector<16xi32>
      %gather3A_607 = tpu.vector_load_idx %arg5[%add3A_606] : memref<39304xf32, #tpu.memory_space<vmem>>[vector<16xi32>], vector<16xf32>,
      %add3A_608 = arith.constant 15 : i32
      %add3A_609 = vector.broadcast %add3A_608 : i32 to vector<16xi32>
      %add3A_610 = arith.addi %mul3A_266, %add3A_609 : vector<16xi32>
      %gather3A_611 = tpu.vector_load_idx %arg5[%add3A_610] : memref<39304xf32, #tpu.memory_space<vmem>>[vector<16xi32>], vector<16xf32>,
      %add3A_612 = arith.constant 15 : i32
      %add3A_613 = vector.broadcast %add3A_612 : i32 to vector<16xi32>
      %add3A_614 = arith.addi %mul3A_254, %add3A_613 : vector<16xi32>
      %add3A_615 = arith.addf %gather3A_599, %gather3A_603 : vector<16xf32>
      %add3A_616 = arith.addf %gather3A_607, %gather3A_611 : vector<16xf32>
      %add3A_617 = arith.addf %add3A_615, %add3A_616 : vector<16xf32>
      tpu.vector_store_idx %arg7[%add3A_614], %add3A_617 : memref<17408xf32, #tpu.memory_space<vmem>>[vector<16xi32>], vector<16xf32>,
      %add3A_618 = arith.constant 16 : i32
      %add3A_619 = vector.broadcast %add3A_618 : i32 to vector<16xi32>
      %add3A_620 = arith.addi %mul3A_257, %add3A_619 : vector<16xi32>
      %gather3A_621 = tpu.vector_load_idx %arg5[%add3A_620] : memref<39304xf32, #tpu.memory_space<vmem>>[vector<16xi32>], vector<16xf32>,
      %add3A_622 = arith.constant 16 : i32
      %add3A_623 = vector.broadcast %add3A_622 : i32 to vector<16xi32>
      %add3A_624 = arith.addi %mul3A_260, %add3A_623 : vector<16xi32>
      %gather3A_625 = tpu.vector_load_idx %arg5[%add3A_624] : memref<39304xf32, #tpu.memory_space<vmem>>[vector<16xi32>], vector<16xf32>,
      %add3A_626 = arith.constant 16 : i32
      %add3A_627 = vector.broadcast %add3A_626 : i32 to vector<16xi32>
      %add3A_628 = arith.addi %mul3A_263, %add3A_627 : vector<16xi32>
      %gather3A_629 = tpu.vector_load_idx %arg5[%add3A_628] : memref<39304xf32, #tpu.memory_space<vmem>>[vector<16xi32>], vector<16xf32>,
      %add3A_630 = arith.constant 16 : i32
      %add3A_631 = vector.broadcast %add3A_630 : i32 to vector<16xi32>
      %add3A_632 = arith.addi %mul3A_266, %add3A_631 : vector<16xi32>
      %gather3A_633 = tpu.vector_load_idx %arg5[%add3A_632] : memref<39304xf32, #tpu.memory_space<vmem>>[vector<16xi32>], vector<16xf32>,
      %add3A_634 = arith.constant 16 : i32
      %add3A_635 = vector.broadcast %add3A_634 : i32 to vector<16xi32>
      %add3A_636 = arith.addi %mul3A_254, %add3A_635 : vector<16xi32>
      %add3A_637 = arith.addf %gather3A_621, %gather3A_625 : vector<16xf32>
      %add3A_638 = arith.addf %gather3A_629, %gather3A_633 : vector<16xf32>
      %add3A_639 = arith.addf %add3A_637, %add3A_638 : vector<16xf32>
      tpu.vector_store_idx %arg7[%add3A_636], %add3A_639 : memref<17408xf32, #tpu.memory_space<vmem>>[vector<16xi32>], vector<16xf32>,
      %add3A_640 = arith.constant 17 : i32
      %add3A_641 = vector.broadcast %add3A_640 : i32 to vector<16xi32>
      %add3A_642 = arith.addi %mul3A_257, %add3A_641 : vector<16xi32>
      %gather3A_643 = tpu.vector_load_idx %arg5[%add3A_642] : memref<39304xf32, #tpu.memory_space<vmem>>[vector<16xi32>], vector<16xf32>,
      %add3A_644 = arith.constant 17 : i32
      %add3A_645 = vector.broadcast %add3A_644 : i32 to vector<16xi32>
      %add3A_646 = arith.addi %mul3A_260, %add3A_645 : vector<16xi32>
      %gather3A_647 = tpu.vector_load_idx %arg5[%add3A_646] : memref<39304xf32, #tpu.memory_space<vmem>>[vector<16xi32>], vector<16xf32>,
      %add3A_648 = arith.constant 17 : i32
      %add3A_649 = vector.broadcast %add3A_648 : i32 to vector<16xi32>
      %add3A_650 = arith.addi %mul3A_263, %add3A_649 : vector<16xi32>
      %gather3A_651 = tpu.vector_load_idx %arg5[%add3A_650] : memref<39304xf32, #tpu.memory_space<vmem>>[vector<16xi32>], vector<16xf32>,
      %add3A_652 = arith.constant 17 : i32
      %add3A_653 = vector.broadcast %add3A_652 : i32 to vector<16xi32>
      %add3A_654 = arith.addi %mul3A_266, %add3A_653 : vector<16xi32>
      %gather3A_655 = tpu.vector_load_idx %arg5[%add3A_654] : memref<39304xf32, #tpu.memory_space<vmem>>[vector<16xi32>], vector<16xf32>,
      %add3A_656 = arith.constant 17 : i32
      %add3A_657 = vector.broadcast %add3A_656 : i32 to vector<16xi32>
      %add3A_658 = arith.addi %mul3A_254, %add3A_657 : vector<16xi32>
      %add3A_659 = arith.addf %gather3A_643, %gather3A_647 : vector<16xf32>
      %add3A_660 = arith.addf %gather3A_651, %gather3A_655 : vector<16xf32>
      %add3A_661 = arith.addf %add3A_659, %add3A_660 : vector<16xf32>
      tpu.vector_store_idx %arg7[%add3A_658], %add3A_661 : memref<17408xf32, #tpu.memory_space<vmem>>[vector<16xi32>], vector<16xf32>,
      %add3A_662 = arith.constant 18 : i32
      %add3A_663 = vector.broadcast %add3A_662 : i32 to vector<16xi32>
      %add3A_664 = arith.addi %mul3A_257, %add3A_663 : vector<16xi32>
      %gather3A_665 = tpu.vector_load_idx %arg5[%add3A_664] : memref<39304xf32, #tpu.memory_space<vmem>>[vector<16xi32>], vector<16xf32>,
      %add3A_666 = arith.constant 18 : i32
      %add3A_667 = vector.broadcast %add3A_666 : i32 to vector<16xi32>
      %add3A_668 = arith.addi %mul3A_260, %add3A_667 : vector<16xi32>
      %gather3A_669 = tpu.vector_load_idx %arg5[%add3A_668] : memref<39304xf32, #tpu.memory_space<vmem>>[vector<16xi32>], vector<16xf32>,
      %add3A_670 = arith.constant 18 : i32
      %add3A_671 = vector.broadcast %add3A_670 : i32 to vector<16xi32>
      %add3A_672 = arith.addi %mul3A_263, %add3A_671 : vector<16xi32>
      %gather3A_673 = tpu.vector_load_idx %arg5[%add3A_672] : memref<39304xf32, #tpu.memory_space<vmem>>[vector<16xi32>], vector<16xf32>,
      %add3A_674 = arith.constant 18 : i32
      %add3A_675 = vector.broadcast %add3A_674 : i32 to vector<16xi32>
      %add3A_676 = arith.addi %mul3A_266, %add3A_675 : vector<16xi32>
      %gather3A_677 = tpu.vector_load_idx %arg5[%add3A_676] : memref<39304xf32, #tpu.memory_space<vmem>>[vector<16xi32>], vector<16xf32>,
      %add3A_678 = arith.constant 18 : i32
      %add3A_679 = vector.broadcast %add3A_678 : i32 to vector<16xi32>
      %add3A_680 = arith.addi %mul3A_254, %add3A_679 : vector<16xi32>
      %add3A_681 = arith.addf %gather3A_665, %gather3A_669 : vector<16xf32>
      %add3A_682 = arith.addf %gather3A_673, %gather3A_677 : vector<16xf32>
      %add3A_683 = arith.addf %add3A_681, %add3A_682 : vector<16xf32>
      tpu.vector_store_idx %arg7[%add3A_680], %add3A_683 : memref<17408xf32, #tpu.memory_space<vmem>>[vector<16xi32>], vector<16xf32>,
      %add3A_684 = arith.constant 19 : i32
      %add3A_685 = vector.broadcast %add3A_684 : i32 to vector<16xi32>
      %add3A_686 = arith.addi %mul3A_257, %add3A_685 : vector<16xi32>
      %gather3A_687 = tpu.vector_load_idx %arg5[%add3A_686] : memref<39304xf32, #tpu.memory_space<vmem>>[vector<16xi32>], vector<16xf32>,
      %add3A_688 = arith.constant 19 : i32
      %add3A_689 = vector.broadcast %add3A_688 : i32 to vector<16xi32>
      %add3A_690 = arith.addi %mul3A_260, %add3A_689 : vector<16xi32>
      %gather3A_691 = tpu.vector_load_idx %arg5[%add3A_690] : memref<39304xf32, #tpu.memory_space<vmem>>[vector<16xi32>], vector<16xf32>,
      %add3A_692 = arith.constant 19 : i32
      %add3A_693 = vector.broadcast %add3A_692 : i32 to vector<16xi32>
      %add3A_694 = arith.addi %mul3A_263, %add3A_693 : vector<16xi32>
      %gather3A_695 = tpu.vector_load_idx %arg5[%add3A_694] : memref<39304xf32, #tpu.memory_space<vmem>>[vector<16xi32>], vector<16xf32>,
      %add3A_696 = arith.constant 19 : i32
      %add3A_697 = vector.broadcast %add3A_696 : i32 to vector<16xi32>
      %add3A_698 = arith.addi %mul3A_266, %add3A_697 : vector<16xi32>
      %gather3A_699 = tpu.vector_load_idx %arg5[%add3A_698] : memref<39304xf32, #tpu.memory_space<vmem>>[vector<16xi32>], vector<16xf32>,
      %add3A_700 = arith.constant 19 : i32
      %add3A_701 = vector.broadcast %add3A_700 : i32 to vector<16xi32>
      %add3A_702 = arith.addi %mul3A_254, %add3A_701 : vector<16xi32>
      %add3A_703 = arith.addf %gather3A_687, %gather3A_691 : vector<16xf32>
      %add3A_704 = arith.addf %gather3A_695, %gather3A_699 : vector<16xf32>
      %add3A_705 = arith.addf %add3A_703, %add3A_704 : vector<16xf32>
      tpu.vector_store_idx %arg7[%add3A_702], %add3A_705 : memref<17408xf32, #tpu.memory_space<vmem>>[vector<16xi32>], vector<16xf32>,
      %add3A_706 = arith.constant 20 : i32
      %add3A_707 = vector.broadcast %add3A_706 : i32 to vector<16xi32>
      %add3A_708 = arith.addi %mul3A_257, %add3A_707 : vector<16xi32>
      %gather3A_709 = tpu.vector_load_idx %arg5[%add3A_708] : memref<39304xf32, #tpu.memory_space<vmem>>[vector<16xi32>], vector<16xf32>,
      %add3A_710 = arith.constant 20 : i32
      %add3A_711 = vector.broadcast %add3A_710 : i32 to vector<16xi32>
      %add3A_712 = arith.addi %mul3A_260, %add3A_711 : vector<16xi32>
      %gather3A_713 = tpu.vector_load_idx %arg5[%add3A_712] : memref<39304xf32, #tpu.memory_space<vmem>>[vector<16xi32>], vector<16xf32>,
      %add3A_714 = arith.constant 20 : i32
      %add3A_715 = vector.broadcast %add3A_714 : i32 to vector<16xi32>
      %add3A_716 = arith.addi %mul3A_263, %add3A_715 : vector<16xi32>
      %gather3A_717 = tpu.vector_load_idx %arg5[%add3A_716] : memref<39304xf32, #tpu.memory_space<vmem>>[vector<16xi32>], vector<16xf32>,
      %add3A_718 = arith.constant 20 : i32
      %add3A_719 = vector.broadcast %add3A_718 : i32 to vector<16xi32>
      %add3A_720 = arith.addi %mul3A_266, %add3A_719 : vector<16xi32>
      %gather3A_721 = tpu.vector_load_idx %arg5[%add3A_720] : memref<39304xf32, #tpu.memory_space<vmem>>[vector<16xi32>], vector<16xf32>,
      %add3A_722 = arith.constant 20 : i32
      %add3A_723 = vector.broadcast %add3A_722 : i32 to vector<16xi32>
      %add3A_724 = arith.addi %mul3A_254, %add3A_723 : vector<16xi32>
      %add3A_725 = arith.addf %gather3A_709, %gather3A_713 : vector<16xf32>
      %add3A_726 = arith.addf %gather3A_717, %gather3A_721 : vector<16xf32>
      %add3A_727 = arith.addf %add3A_725, %add3A_726 : vector<16xf32>
      tpu.vector_store_idx %arg7[%add3A_724], %add3A_727 : memref<17408xf32, #tpu.memory_space<vmem>>[vector<16xi32>], vector<16xf32>,
      %add3A_728 = arith.constant 21 : i32
      %add3A_729 = vector.broadcast %add3A_728 : i32 to vector<16xi32>
      %add3A_730 = arith.addi %mul3A_257, %add3A_729 : vector<16xi32>
      %gather3A_731 = tpu.vector_load_idx %arg5[%add3A_730] : memref<39304xf32, #tpu.memory_space<vmem>>[vector<16xi32>], vector<16xf32>,
      %add3A_732 = arith.constant 21 : i32
      %add3A_733 = vector.broadcast %add3A_732 : i32 to vector<16xi32>
      %add3A_734 = arith.addi %mul3A_260, %add3A_733 : vector<16xi32>
      %gather3A_735 = tpu.vector_load_idx %arg5[%add3A_734] : memref<39304xf32, #tpu.memory_space<vmem>>[vector<16xi32>], vector<16xf32>,
      %add3A_736 = arith.constant 21 : i32
      %add3A_737 = vector.broadcast %add3A_736 : i32 to vector<16xi32>
      %add3A_738 = arith.addi %mul3A_263, %add3A_737 : vector<16xi32>
      %gather3A_739 = tpu.vector_load_idx %arg5[%add3A_738] : memref<39304xf32, #tpu.memory_space<vmem>>[vector<16xi32>], vector<16xf32>,
      %add3A_740 = arith.constant 21 : i32
      %add3A_741 = vector.broadcast %add3A_740 : i32 to vector<16xi32>
      %add3A_742 = arith.addi %mul3A_266, %add3A_741 : vector<16xi32>
      %gather3A_743 = tpu.vector_load_idx %arg5[%add3A_742] : memref<39304xf32, #tpu.memory_space<vmem>>[vector<16xi32>], vector<16xf32>,
      %add3A_744 = arith.constant 21 : i32
      %add3A_745 = vector.broadcast %add3A_744 : i32 to vector<16xi32>
      %add3A_746 = arith.addi %mul3A_254, %add3A_745 : vector<16xi32>
      %add3A_747 = arith.addf %gather3A_731, %gather3A_735 : vector<16xf32>
      %add3A_748 = arith.addf %gather3A_739, %gather3A_743 : vector<16xf32>
      %add3A_749 = arith.addf %add3A_747, %add3A_748 : vector<16xf32>
      tpu.vector_store_idx %arg7[%add3A_746], %add3A_749 : memref<17408xf32, #tpu.memory_space<vmem>>[vector<16xi32>], vector<16xf32>,
      %add3A_750 = arith.constant 22 : i32
      %add3A_751 = vector.broadcast %add3A_750 : i32 to vector<16xi32>
      %add3A_752 = arith.addi %mul3A_257, %add3A_751 : vector<16xi32>
      %gather3A_753 = tpu.vector_load_idx %arg5[%add3A_752] : memref<39304xf32, #tpu.memory_space<vmem>>[vector<16xi32>], vector<16xf32>,
      %add3A_754 = arith.constant 22 : i32
      %add3A_755 = vector.broadcast %add3A_754 : i32 to vector<16xi32>
      %add3A_756 = arith.addi %mul3A_260, %add3A_755 : vector<16xi32>
      %gather3A_757 = tpu.vector_load_idx %arg5[%add3A_756] : memref<39304xf32, #tpu.memory_space<vmem>>[vector<16xi32>], vector<16xf32>,
      %add3A_758 = arith.constant 22 : i32
      %add3A_759 = vector.broadcast %add3A_758 : i32 to vector<16xi32>
      %add3A_760 = arith.addi %mul3A_263, %add3A_759 : vector<16xi32>
      %gather3A_761 = tpu.vector_load_idx %arg5[%add3A_760] : memref<39304xf32, #tpu.memory_space<vmem>>[vector<16xi32>], vector<16xf32>,
      %add3A_762 = arith.constant 22 : i32
      %add3A_763 = vector.broadcast %add3A_762 : i32 to vector<16xi32>
      %add3A_764 = arith.addi %mul3A_266, %add3A_763 : vector<16xi32>
      %gather3A_765 = tpu.vector_load_idx %arg5[%add3A_764] : memref<39304xf32, #tpu.memory_space<vmem>>[vector<16xi32>], vector<16xf32>,
      %add3A_766 = arith.constant 22 : i32
      %add3A_767 = vector.broadcast %add3A_766 : i32 to vector<16xi32>
      %add3A_768 = arith.addi %mul3A_254, %add3A_767 : vector<16xi32>
      %add3A_769 = arith.addf %gather3A_753, %gather3A_757 : vector<16xf32>
      %add3A_770 = arith.addf %gather3A_761, %gather3A_765 : vector<16xf32>
      %add3A_771 = arith.addf %add3A_769, %add3A_770 : vector<16xf32>
      tpu.vector_store_idx %arg7[%add3A_768], %add3A_771 : memref<17408xf32, #tpu.memory_space<vmem>>[vector<16xi32>], vector<16xf32>,
      %add3A_772 = arith.constant 23 : i32
      %add3A_773 = vector.broadcast %add3A_772 : i32 to vector<16xi32>
      %add3A_774 = arith.addi %mul3A_257, %add3A_773 : vector<16xi32>
      %gather3A_775 = tpu.vector_load_idx %arg5[%add3A_774] : memref<39304xf32, #tpu.memory_space<vmem>>[vector<16xi32>], vector<16xf32>,
      %add3A_776 = arith.constant 23 : i32
      %add3A_777 = vector.broadcast %add3A_776 : i32 to vector<16xi32>
      %add3A_778 = arith.addi %mul3A_260, %add3A_777 : vector<16xi32>
      %gather3A_779 = tpu.vector_load_idx %arg5[%add3A_778] : memref<39304xf32, #tpu.memory_space<vmem>>[vector<16xi32>], vector<16xf32>,
      %add3A_780 = arith.constant 23 : i32
      %add3A_781 = vector.broadcast %add3A_780 : i32 to vector<16xi32>
      %add3A_782 = arith.addi %mul3A_263, %add3A_781 : vector<16xi32>
      %gather3A_783 = tpu.vector_load_idx %arg5[%add3A_782] : memref<39304xf32, #tpu.memory_space<vmem>>[vector<16xi32>], vector<16xf32>,
      %add3A_784 = arith.constant 23 : i32
      %add3A_785 = vector.broadcast %add3A_784 : i32 to vector<16xi32>
      %add3A_786 = arith.addi %mul3A_266, %add3A_785 : vector<16xi32>
      %gather3A_787 = tpu.vector_load_idx %arg5[%add3A_786] : memref<39304xf32, #tpu.memory_space<vmem>>[vector<16xi32>], vector<16xf32>,
      %add3A_788 = arith.constant 23 : i32
      %add3A_789 = vector.broadcast %add3A_788 : i32 to vector<16xi32>
      %add3A_790 = arith.addi %mul3A_254, %add3A_789 : vector<16xi32>
      %add3A_791 = arith.addf %gather3A_775, %gather3A_779 : vector<16xf32>
      %add3A_792 = arith.addf %gather3A_783, %gather3A_787 : vector<16xf32>
      %add3A_793 = arith.addf %add3A_791, %add3A_792 : vector<16xf32>
      tpu.vector_store_idx %arg7[%add3A_790], %add3A_793 : memref<17408xf32, #tpu.memory_space<vmem>>[vector<16xi32>], vector<16xf32>,
      %add3A_794 = arith.constant 24 : i32
      %add3A_795 = vector.broadcast %add3A_794 : i32 to vector<16xi32>
      %add3A_796 = arith.addi %mul3A_257, %add3A_795 : vector<16xi32>
      %gather3A_797 = tpu.vector_load_idx %arg5[%add3A_796] : memref<39304xf32, #tpu.memory_space<vmem>>[vector<16xi32>], vector<16xf32>,
      %add3A_798 = arith.constant 24 : i32
      %add3A_799 = vector.broadcast %add3A_798 : i32 to vector<16xi32>
      %add3A_800 = arith.addi %mul3A_260, %add3A_799 : vector<16xi32>
      %gather3A_801 = tpu.vector_load_idx %arg5[%add3A_800] : memref<39304xf32, #tpu.memory_space<vmem>>[vector<16xi32>], vector<16xf32>,
      %add3A_802 = arith.constant 24 : i32
      %add3A_803 = vector.broadcast %add3A_802 : i32 to vector<16xi32>
      %add3A_804 = arith.addi %mul3A_263, %add3A_803 : vector<16xi32>
      %gather3A_805 = tpu.vector_load_idx %arg5[%add3A_804] : memref<39304xf32, #tpu.memory_space<vmem>>[vector<16xi32>], vector<16xf32>,
      %add3A_806 = arith.constant 24 : i32
      %add3A_807 = vector.broadcast %add3A_806 : i32 to vector<16xi32>
      %add3A_808 = arith.addi %mul3A_266, %add3A_807 : vector<16xi32>
      %gather3A_809 = tpu.vector_load_idx %arg5[%add3A_808] : memref<39304xf32, #tpu.memory_space<vmem>>[vector<16xi32>], vector<16xf32>,
      %add3A_810 = arith.constant 24 : i32
      %add3A_811 = vector.broadcast %add3A_810 : i32 to vector<16xi32>
      %add3A_812 = arith.addi %mul3A_254, %add3A_811 : vector<16xi32>
      %add3A_813 = arith.addf %gather3A_797, %gather3A_801 : vector<16xf32>
      %add3A_814 = arith.addf %gather3A_805, %gather3A_809 : vector<16xf32>
      %add3A_815 = arith.addf %add3A_813, %add3A_814 : vector<16xf32>
      tpu.vector_store_idx %arg7[%add3A_812], %add3A_815 : memref<17408xf32, #tpu.memory_space<vmem>>[vector<16xi32>], vector<16xf32>,
      %add3A_816 = arith.constant 25 : i32
      %add3A_817 = vector.broadcast %add3A_816 : i32 to vector<16xi32>
      %add3A_818 = arith.addi %mul3A_257, %add3A_817 : vector<16xi32>
      %gather3A_819 = tpu.vector_load_idx %arg5[%add3A_818] : memref<39304xf32, #tpu.memory_space<vmem>>[vector<16xi32>], vector<16xf32>,
      %add3A_820 = arith.constant 25 : i32
      %add3A_821 = vector.broadcast %add3A_820 : i32 to vector<16xi32>
      %add3A_822 = arith.addi %mul3A_260, %add3A_821 : vector<16xi32>
      %gather3A_823 = tpu.vector_load_idx %arg5[%add3A_822] : memref<39304xf32, #tpu.memory_space<vmem>>[vector<16xi32>], vector<16xf32>,
      %add3A_824 = arith.constant 25 : i32
      %add3A_825 = vector.broadcast %add3A_824 : i32 to vector<16xi32>
      %add3A_826 = arith.addi %mul3A_263, %add3A_825 : vector<16xi32>
      %gather3A_827 = tpu.vector_load_idx %arg5[%add3A_826] : memref<39304xf32, #tpu.memory_space<vmem>>[vector<16xi32>], vector<16xf32>,
      %add3A_828 = arith.constant 25 : i32
      %add3A_829 = vector.broadcast %add3A_828 : i32 to vector<16xi32>
      %add3A_830 = arith.addi %mul3A_266, %add3A_829 : vector<16xi32>
      %gather3A_831 = tpu.vector_load_idx %arg5[%add3A_830] : memref<39304xf32, #tpu.memory_space<vmem>>[vector<16xi32>], vector<16xf32>,
      %add3A_832 = arith.constant 25 : i32
      %add3A_833 = vector.broadcast %add3A_832 : i32 to vector<16xi32>
      %add3A_834 = arith.addi %mul3A_254, %add3A_833 : vector<16xi32>
      %add3A_835 = arith.addf %gather3A_819, %gather3A_823 : vector<16xf32>
      %add3A_836 = arith.addf %gather3A_827, %gather3A_831 : vector<16xf32>
      %add3A_837 = arith.addf %add3A_835, %add3A_836 : vector<16xf32>
      tpu.vector_store_idx %arg7[%add3A_834], %add3A_837 : memref<17408xf32, #tpu.memory_space<vmem>>[vector<16xi32>], vector<16xf32>,
      %add3A_838 = arith.constant 26 : i32
      %add3A_839 = vector.broadcast %add3A_838 : i32 to vector<16xi32>
      %add3A_840 = arith.addi %mul3A_257, %add3A_839 : vector<16xi32>
      %gather3A_841 = tpu.vector_load_idx %arg5[%add3A_840] : memref<39304xf32, #tpu.memory_space<vmem>>[vector<16xi32>], vector<16xf32>,
      %add3A_842 = arith.constant 26 : i32
      %add3A_843 = vector.broadcast %add3A_842 : i32 to vector<16xi32>
      %add3A_844 = arith.addi %mul3A_260, %add3A_843 : vector<16xi32>
      %gather3A_845 = tpu.vector_load_idx %arg5[%add3A_844] : memref<39304xf32, #tpu.memory_space<vmem>>[vector<16xi32>], vector<16xf32>,
      %add3A_846 = arith.constant 26 : i32
      %add3A_847 = vector.broadcast %add3A_846 : i32 to vector<16xi32>
      %add3A_848 = arith.addi %mul3A_263, %add3A_847 : vector<16xi32>
      %gather3A_849 = tpu.vector_load_idx %arg5[%add3A_848] : memref<39304xf32, #tpu.memory_space<vmem>>[vector<16xi32>], vector<16xf32>,
      %add3A_850 = arith.constant 26 : i32
      %add3A_851 = vector.broadcast %add3A_850 : i32 to vector<16xi32>
      %add3A_852 = arith.addi %mul3A_266, %add3A_851 : vector<16xi32>
      %gather3A_853 = tpu.vector_load_idx %arg5[%add3A_852] : memref<39304xf32, #tpu.memory_space<vmem>>[vector<16xi32>], vector<16xf32>,
      %add3A_854 = arith.constant 26 : i32
      %add3A_855 = vector.broadcast %add3A_854 : i32 to vector<16xi32>
      %add3A_856 = arith.addi %mul3A_254, %add3A_855 : vector<16xi32>
      %add3A_857 = arith.addf %gather3A_841, %gather3A_845 : vector<16xf32>
      %add3A_858 = arith.addf %gather3A_849, %gather3A_853 : vector<16xf32>
      %add3A_859 = arith.addf %add3A_857, %add3A_858 : vector<16xf32>
      tpu.vector_store_idx %arg7[%add3A_856], %add3A_859 : memref<17408xf32, #tpu.memory_space<vmem>>[vector<16xi32>], vector<16xf32>,
      %add3A_860 = arith.constant 27 : i32
      %add3A_861 = vector.broadcast %add3A_860 : i32 to vector<16xi32>
      %add3A_862 = arith.addi %mul3A_257, %add3A_861 : vector<16xi32>
      %gather3A_863 = tpu.vector_load_idx %arg5[%add3A_862] : memref<39304xf32, #tpu.memory_space<vmem>>[vector<16xi32>], vector<16xf32>,
      %add3A_864 = arith.constant 27 : i32
      %add3A_865 = vector.broadcast %add3A_864 : i32 to vector<16xi32>
      %add3A_866 = arith.addi %mul3A_260, %add3A_865 : vector<16xi32>
      %gather3A_867 = tpu.vector_load_idx %arg5[%add3A_866] : memref<39304xf32, #tpu.memory_space<vmem>>[vector<16xi32>], vector<16xf32>,
      %add3A_868 = arith.constant 27 : i32
      %add3A_869 = vector.broadcast %add3A_868 : i32 to vector<16xi32>
      %add3A_870 = arith.addi %mul3A_263, %add3A_869 : vector<16xi32>
      %gather3A_871 = tpu.vector_load_idx %arg5[%add3A_870] : memref<39304xf32, #tpu.memory_space<vmem>>[vector<16xi32>], vector<16xf32>,
      %add3A_872 = arith.constant 27 : i32
      %add3A_873 = vector.broadcast %add3A_872 : i32 to vector<16xi32>
      %add3A_874 = arith.addi %mul3A_266, %add3A_873 : vector<16xi32>
      %gather3A_875 = tpu.vector_load_idx %arg5[%add3A_874] : memref<39304xf32, #tpu.memory_space<vmem>>[vector<16xi32>], vector<16xf32>,
      %add3A_876 = arith.constant 27 : i32
      %add3A_877 = vector.broadcast %add3A_876 : i32 to vector<16xi32>
      %add3A_878 = arith.addi %mul3A_254, %add3A_877 : vector<16xi32>
      %add3A_879 = arith.addf %gather3A_863, %gather3A_867 : vector<16xf32>
      %add3A_880 = arith.addf %gather3A_871, %gather3A_875 : vector<16xf32>
      %add3A_881 = arith.addf %add3A_879, %add3A_880 : vector<16xf32>
      tpu.vector_store_idx %arg7[%add3A_878], %add3A_881 : memref<17408xf32, #tpu.memory_space<vmem>>[vector<16xi32>], vector<16xf32>,
      %add3A_882 = arith.constant 28 : i32
      %add3A_883 = vector.broadcast %add3A_882 : i32 to vector<16xi32>
      %add3A_884 = arith.addi %mul3A_257, %add3A_883 : vector<16xi32>
      %gather3A_885 = tpu.vector_load_idx %arg5[%add3A_884] : memref<39304xf32, #tpu.memory_space<vmem>>[vector<16xi32>], vector<16xf32>,
      %add3A_886 = arith.constant 28 : i32
      %add3A_887 = vector.broadcast %add3A_886 : i32 to vector<16xi32>
      %add3A_888 = arith.addi %mul3A_260, %add3A_887 : vector<16xi32>
      %gather3A_889 = tpu.vector_load_idx %arg5[%add3A_888] : memref<39304xf32, #tpu.memory_space<vmem>>[vector<16xi32>], vector<16xf32>,
      %add3A_890 = arith.constant 28 : i32
      %add3A_891 = vector.broadcast %add3A_890 : i32 to vector<16xi32>
      %add3A_892 = arith.addi %mul3A_263, %add3A_891 : vector<16xi32>
      %gather3A_893 = tpu.vector_load_idx %arg5[%add3A_892] : memref<39304xf32, #tpu.memory_space<vmem>>[vector<16xi32>], vector<16xf32>,
      %add3A_894 = arith.constant 28 : i32
      %add3A_895 = vector.broadcast %add3A_894 : i32 to vector<16xi32>
      %add3A_896 = arith.addi %mul3A_266, %add3A_895 : vector<16xi32>
      %gather3A_897 = tpu.vector_load_idx %arg5[%add3A_896] : memref<39304xf32, #tpu.memory_space<vmem>>[vector<16xi32>], vector<16xf32>,
      %add3A_898 = arith.constant 28 : i32
      %add3A_899 = vector.broadcast %add3A_898 : i32 to vector<16xi32>
      %add3A_900 = arith.addi %mul3A_254, %add3A_899 : vector<16xi32>
      %add3A_901 = arith.addf %gather3A_885, %gather3A_889 : vector<16xf32>
      %add3A_902 = arith.addf %gather3A_893, %gather3A_897 : vector<16xf32>
      %add3A_903 = arith.addf %add3A_901, %add3A_902 : vector<16xf32>
      tpu.vector_store_idx %arg7[%add3A_900], %add3A_903 : memref<17408xf32, #tpu.memory_space<vmem>>[vector<16xi32>], vector<16xf32>,
      %add3A_904 = arith.constant 29 : i32
      %add3A_905 = vector.broadcast %add3A_904 : i32 to vector<16xi32>
      %add3A_906 = arith.addi %mul3A_257, %add3A_905 : vector<16xi32>
      %gather3A_907 = tpu.vector_load_idx %arg5[%add3A_906] : memref<39304xf32, #tpu.memory_space<vmem>>[vector<16xi32>], vector<16xf32>,
      %add3A_908 = arith.constant 29 : i32
      %add3A_909 = vector.broadcast %add3A_908 : i32 to vector<16xi32>
      %add3A_910 = arith.addi %mul3A_260, %add3A_909 : vector<16xi32>
      %gather3A_911 = tpu.vector_load_idx %arg5[%add3A_910] : memref<39304xf32, #tpu.memory_space<vmem>>[vector<16xi32>], vector<16xf32>,
      %add3A_912 = arith.constant 29 : i32
      %add3A_913 = vector.broadcast %add3A_912 : i32 to vector<16xi32>
      %add3A_914 = arith.addi %mul3A_263, %add3A_913 : vector<16xi32>
      %gather3A_915 = tpu.vector_load_idx %arg5[%add3A_914] : memref<39304xf32, #tpu.memory_space<vmem>>[vector<16xi32>], vector<16xf32>,
      %add3A_916 = arith.constant 29 : i32
      %add3A_917 = vector.broadcast %add3A_916 : i32 to vector<16xi32>
      %add3A_918 = arith.addi %mul3A_266, %add3A_917 : vector<16xi32>
      %gather3A_919 = tpu.vector_load_idx %arg5[%add3A_918] : memref<39304xf32, #tpu.memory_space<vmem>>[vector<16xi32>], vector<16xf32>,
      %add3A_920 = arith.constant 29 : i32
      %add3A_921 = vector.broadcast %add3A_920 : i32 to vector<16xi32>
      %add3A_922 = arith.addi %mul3A_254, %add3A_921 : vector<16xi32>
      %add3A_923 = arith.addf %gather3A_907, %gather3A_911 : vector<16xf32>
      %add3A_924 = arith.addf %gather3A_915, %gather3A_919 : vector<16xf32>
      %add3A_925 = arith.addf %add3A_923, %add3A_924 : vector<16xf32>
      tpu.vector_store_idx %arg7[%add3A_922], %add3A_925 : memref<17408xf32, #tpu.memory_space<vmem>>[vector<16xi32>], vector<16xf32>,
      %add3A_926 = arith.constant 30 : i32
      %add3A_927 = vector.broadcast %add3A_926 : i32 to vector<16xi32>
      %add3A_928 = arith.addi %mul3A_257, %add3A_927 : vector<16xi32>
      %gather3A_929 = tpu.vector_load_idx %arg5[%add3A_928] : memref<39304xf32, #tpu.memory_space<vmem>>[vector<16xi32>], vector<16xf32>,
      %add3A_930 = arith.constant 30 : i32
      %add3A_931 = vector.broadcast %add3A_930 : i32 to vector<16xi32>
      %add3A_932 = arith.addi %mul3A_260, %add3A_931 : vector<16xi32>
      %gather3A_933 = tpu.vector_load_idx %arg5[%add3A_932] : memref<39304xf32, #tpu.memory_space<vmem>>[vector<16xi32>], vector<16xf32>,
      %add3A_934 = arith.constant 30 : i32
      %add3A_935 = vector.broadcast %add3A_934 : i32 to vector<16xi32>
      %add3A_936 = arith.addi %mul3A_263, %add3A_935 : vector<16xi32>
      %gather3A_937 = tpu.vector_load_idx %arg5[%add3A_936] : memref<39304xf32, #tpu.memory_space<vmem>>[vector<16xi32>], vector<16xf32>,
      %add3A_938 = arith.constant 30 : i32
      %add3A_939 = vector.broadcast %add3A_938 : i32 to vector<16xi32>
      %add3A_940 = arith.addi %mul3A_266, %add3A_939 : vector<16xi32>
      %gather3A_941 = tpu.vector_load_idx %arg5[%add3A_940] : memref<39304xf32, #tpu.memory_space<vmem>>[vector<16xi32>], vector<16xf32>,
      %add3A_942 = arith.constant 30 : i32
      %add3A_943 = vector.broadcast %add3A_942 : i32 to vector<16xi32>
      %add3A_944 = arith.addi %mul3A_254, %add3A_943 : vector<16xi32>
      %add3A_945 = arith.addf %gather3A_929, %gather3A_933 : vector<16xf32>
      %add3A_946 = arith.addf %gather3A_937, %gather3A_941 : vector<16xf32>
      %add3A_947 = arith.addf %add3A_945, %add3A_946 : vector<16xf32>
      tpu.vector_store_idx %arg7[%add3A_944], %add3A_947 : memref<17408xf32, #tpu.memory_space<vmem>>[vector<16xi32>], vector<16xf32>,
      %add3A_948 = arith.constant 31 : i32
      %add3A_949 = vector.broadcast %add3A_948 : i32 to vector<16xi32>
      %add3A_950 = arith.addi %mul3A_257, %add3A_949 : vector<16xi32>
      %gather3A_951 = tpu.vector_load_idx %arg5[%add3A_950] : memref<39304xf32, #tpu.memory_space<vmem>>[vector<16xi32>], vector<16xf32>,
      %add3A_952 = arith.constant 31 : i32
      %add3A_953 = vector.broadcast %add3A_952 : i32 to vector<16xi32>
      %add3A_954 = arith.addi %mul3A_260, %add3A_953 : vector<16xi32>
      %gather3A_955 = tpu.vector_load_idx %arg5[%add3A_954] : memref<39304xf32, #tpu.memory_space<vmem>>[vector<16xi32>], vector<16xf32>,
      %add3A_956 = arith.constant 31 : i32
      %add3A_957 = vector.broadcast %add3A_956 : i32 to vector<16xi32>
      %add3A_958 = arith.addi %mul3A_263, %add3A_957 : vector<16xi32>
      %gather3A_959 = tpu.vector_load_idx %arg5[%add3A_958] : memref<39304xf32, #tpu.memory_space<vmem>>[vector<16xi32>], vector<16xf32>,
      %add3A_960 = arith.constant 31 : i32
      %add3A_961 = vector.broadcast %add3A_960 : i32 to vector<16xi32>
      %add3A_962 = arith.addi %mul3A_266, %add3A_961 : vector<16xi32>
      %gather3A_963 = tpu.vector_load_idx %arg5[%add3A_962] : memref<39304xf32, #tpu.memory_space<vmem>>[vector<16xi32>], vector<16xf32>,
      %add3A_964 = arith.constant 31 : i32
      %add3A_965 = vector.broadcast %add3A_964 : i32 to vector<16xi32>
      %add3A_966 = arith.addi %mul3A_254, %add3A_965 : vector<16xi32>
      %add3A_967 = arith.addf %gather3A_951, %gather3A_955 : vector<16xf32>
      %add3A_968 = arith.addf %gather3A_959, %gather3A_963 : vector<16xf32>
      %add3A_969 = arith.addf %add3A_967, %add3A_968 : vector<16xf32>
      tpu.vector_store_idx %arg7[%add3A_966], %add3A_969 : memref<17408xf32, #tpu.memory_space<vmem>>[vector<16xi32>], vector<16xf32>,
      %add3A_970 = arith.constant 32 : i32
      %add3A_971 = vector.broadcast %add3A_970 : i32 to vector<16xi32>
      %add3A_972 = arith.addi %mul3A_257, %add3A_971 : vector<16xi32>
      %gather3A_973 = tpu.vector_load_idx %arg5[%add3A_972] : memref<39304xf32, #tpu.memory_space<vmem>>[vector<16xi32>], vector<16xf32>,
      %add3A_974 = arith.constant 32 : i32
      %add3A_975 = vector.broadcast %add3A_974 : i32 to vector<16xi32>
      %add3A_976 = arith.addi %mul3A_260, %add3A_975 : vector<16xi32>
      %gather3A_977 = tpu.vector_load_idx %arg5[%add3A_976] : memref<39304xf32, #tpu.memory_space<vmem>>[vector<16xi32>], vector<16xf32>,
      %add3A_978 = arith.constant 32 : i32
      %add3A_979 = vector.broadcast %add3A_978 : i32 to vector<16xi32>
      %add3A_980 = arith.addi %mul3A_263, %add3A_979 : vector<16xi32>
      %gather3A_981 = tpu.vector_load_idx %arg5[%add3A_980] : memref<39304xf32, #tpu.memory_space<vmem>>[vector<16xi32>], vector<16xf32>,
      %add3A_982 = arith.constant 32 : i32
      %add3A_983 = vector.broadcast %add3A_982 : i32 to vector<16xi32>
      %add3A_984 = arith.addi %mul3A_266, %add3A_983 : vector<16xi32>
      %gather3A_985 = tpu.vector_load_idx %arg5[%add3A_984] : memref<39304xf32, #tpu.memory_space<vmem>>[vector<16xi32>], vector<16xf32>,
      %add3A_986 = arith.constant 32 : i32
      %add3A_987 = vector.broadcast %add3A_986 : i32 to vector<16xi32>
      %add3A_988 = arith.addi %mul3A_254, %add3A_987 : vector<16xi32>
      %add3A_989 = arith.addf %gather3A_973, %gather3A_977 : vector<16xf32>
      %add3A_990 = arith.addf %gather3A_981, %gather3A_985 : vector<16xf32>
      %add3A_991 = arith.addf %add3A_989, %add3A_990 : vector<16xf32>
      tpu.vector_store_idx %arg7[%add3A_988], %add3A_991 : memref<17408xf32, #tpu.memory_space<vmem>>[vector<16xi32>], vector<16xf32>,
      %add3A_992 = arith.constant 33 : i32
      %add3A_993 = vector.broadcast %add3A_992 : i32 to vector<16xi32>
      %add3A_994 = arith.addi %mul3A_257, %add3A_993 : vector<16xi32>
      %gather3A_995 = tpu.vector_load_idx %arg5[%add3A_994] : memref<39304xf32, #tpu.memory_space<vmem>>[vector<16xi32>], vector<16xf32>,
      %add3A_996 = arith.constant 33 : i32
      %add3A_997 = vector.broadcast %add3A_996 : i32 to vector<16xi32>
      %add3A_998 = arith.addi %mul3A_260, %add3A_997 : vector<16xi32>
      %gather3A_999 = tpu.vector_load_idx %arg5[%add3A_998] : memref<39304xf32, #tpu.memory_space<vmem>>[vector<16xi32>], vector<16xf32>,
      %add3A_1000 = arith.constant 33 : i32
      %add3A_1001 = vector.broadcast %add3A_1000 : i32 to vector<16xi32>
      %add3A_1002 = arith.addi %mul3A_263, %add3A_1001 : vector<16xi32>
      %gather3A_1003 = tpu.vector_load_idx %arg5[%add3A_1002] : memref<39304xf32, #tpu.memory_space<vmem>>[vector<16xi32>], vector<16xf32>,
      %add3A_1004 = arith.constant 33 : i32
      %add3A_1005 = vector.broadcast %add3A_1004 : i32 to vector<16xi32>
      %add3A_1006 = arith.addi %mul3A_266, %add3A_1005 : vector<16xi32>
      %gather3A_1007 = tpu.vector_load_idx %arg5[%add3A_1006] : memref<39304xf32, #tpu.memory_space<vmem>>[vector<16xi32>], vector<16xf32>,
      %add3A_1008 = arith.constant 33 : i32
      %add3A_1009 = vector.broadcast %add3A_1008 : i32 to vector<16xi32>
      %add3A_1010 = arith.addi %mul3A_254, %add3A_1009 : vector<16xi32>
      %add3A_1011 = arith.addf %gather3A_995, %gather3A_999 : vector<16xf32>
      %add3A_1012 = arith.addf %gather3A_1003, %gather3A_1007 : vector<16xf32>
      %add3A_1013 = arith.addf %add3A_1011, %add3A_1012 : vector<16xf32>
      tpu.vector_store_idx %arg7[%add3A_1010], %add3A_1013 : memref<17408xf32, #tpu.memory_space<vmem>>[vector<16xi32>], vector<16xf32>,
    }
    %scan3A_197 = arith.constant 32 : i32
    %mul3A_198 = arith.constant 34 : i32
    %mul3A_199 = arith.muli %mul3A_2, %mul3A_198 : i32
    "tpu.region"() ({
      %run_scoped3A = tpu.sem_alloc : memref<!tpu.dma_semaphore, #tpu.memory_space<semaphore_mem>>
      %dma_start3A_200 = tpu.memref_slice %arg4[%mul3A_199] : memref<557056xf32, #tpu.memory_space<hbm>> -> memref<17408xf32, #tpu.memory_space<hbm>>
      %dma_start3A_201 = tpu.memref_slice %arg4[%mul3A_199] : memref<557056xf32, #tpu.memory_space<hbm>> -> memref<17408xf32, #tpu.memory_space<hbm>>
      tpu.enqueue_dma source(%arg7 : memref<17408xf32, #tpu.memory_space<vmem>>) target(%dma_start3A_201 : memref<17408xf32, #tpu.memory_space<hbm>>) target_semaphore(%run_scoped3A : memref<!tpu.dma_semaphore, #tpu.memory_space<semaphore_mem>>)
      %dma_wait3A_202 = tpu.memref_slice %arg4[%mul3A_199] : memref<557056xf32, #tpu.memory_space<hbm>> -> memref<17408xf32, #tpu.memory_space<hbm>>
      %dma_wait3A_203 = tpu.memref_slice %arg4[%mul3A_199] : memref<557056xf32, #tpu.memory_space<hbm>> -> memref<17408xf32, #tpu.memory_space<hbm>>
      tpu.wait_dma2 semaphore(%run_scoped3A : memref<!tpu.dma_semaphore, #tpu.memory_space<semaphore_mem>>) src(%arg7 : memref<17408xf32, #tpu.memory_space<vmem>>) dst(%dma_wait3A_203 : memref<17408xf32, #tpu.memory_space<hbm>>)
      tpu.yield
    }) : () -> ()
    return
  }
}

module attributes {stable_mosaic.version = 14 : i64} {
  func.func @_pair_table_body(%arg0: memref<34x128xf32, #tpu.memory_space<vmem>>, %arg1: memref<34x128xf32, #tpu.memory_space<vmem>>, %arg2: memref<1x34xf32, #tpu.memory_space<vmem>>, %arg3: memref<34x34x34xf32, #tpu.memory_space<vmem>>) attributes {dimension_semantics = [], scalar_prefetch = 0 : i64, scratch_operands = 0 : i64, tpu.core_type = #tpu.core_type<tc>} {
    %get3A = arith.constant 0 : index
    %get3A_0 = arith.constant 0 : index
    %get3A_1 = vector.load %arg0[%get3A, %get3A_0] : memref<34x128xf32, #tpu.memory_space<vmem>>, vector<34x128xf32>
    %get3A_2 = arith.constant 0 : index
    %get3A_3 = arith.constant 0 : index
    %get3A_4 = vector.load %arg1[%get3A_2, %get3A_3] : memref<34x128xf32, #tpu.memory_space<vmem>>, vector<34x128xf32>
    %dot_general3A = arith.constant dense<0.000000e+00> : vector<34x34xf32>
    %dot_general3A_5 = tpu.matmul %get3A_1, %get3A_4, %dot_general3A {dimension_numbers = #tpu.dot_dimension_numbers<[1], [1], [0], [0], [0, 0, 1, 0], [], []>, transpose_lhs_hint = false} : vector<34x128xf32>, vector<34x128xf32>, vector<34x34xf32> -> vector<34x34xf32>
    %get3A_6 = arith.constant 0 : index
    %get3A_7 = arith.constant 0 : index
    %get3A_8 = vector.load %arg2[%get3A_6, %get3A_7] : memref<1x34xf32, #tpu.memory_space<vmem>>, vector<1x34xf32>
    %add3A = vector.broadcast %get3A_8 : vector<1x34xf32> to vector<34x34xf32>
    %add3A_9 = arith.addf %dot_general3A_5, %add3A : vector<34x34xf32>
    %mul3A = arith.constant 1.250000e-01 : f32
    %mul3A_10 = vector.broadcast %mul3A : f32 to vector<34x34xf32>
    %mul3A_11 = arith.mulf %add3A_9, %mul3A_10 : vector<34x34xf32>
    %broadcast_in_dim3A = vector.shape_cast %mul3A_11 : vector<34x34xf32> to vector<34x1x34xf32>
    %broadcast_in_dim3A_12 = vector.shape_cast %mul3A_11 : vector<34x34xf32> to vector<1x34x34xf32>
    %add3A_13 = vector.broadcast %broadcast_in_dim3A : vector<34x1x34xf32> to vector<34x34x34xf32>
    %add3A_14 = vector.broadcast %broadcast_in_dim3A_12 : vector<1x34x34xf32> to vector<34x34x34xf32>
    %add3A_15 = arith.addf %add3A_13, %add3A_14 : vector<34x34x34xf32>
    %swap3A = arith.constant 0 : index
    %swap3A_16 = arith.constant 0 : index
    %swap3A_17 = arith.constant 0 : index
    %swap3A_18 = vector.load %arg3[%swap3A, %swap3A_16, %swap3A_17] : memref<34x34x34xf32, #tpu.memory_space<vmem>>, vector<34x34x34xf32>
    tpu.vector_store %arg3[%swap3A, %swap3A_16, %swap3A_17], %add3A_15 {strides = array<i32>} : memref<34x34x34xf32, #tpu.memory_space<vmem>>, vector<34x34x34xf32>,
    return
  }
}

</mosaic_0001>

<sc_bundles>
// kernel: kernel.4.cloned.1.call-start
scs
__scs_entry_jumppad:
0x0: {  	(pc) =	sbr.rel $0x88, $3  }
0x1: {  	(tag) =	ssettag $0x0;
	lr =	simm.s32 $0x1  }
0x2: {  	[smem:$0x3F9D] =	sst lr;
	_ =	strace $0xD0000000  }
0x3: {  	_ = 	snop  }
0x4: {  	_ = 	snop  }
0x5: {  	_ = 	snop  }
0x6: {  	_ = 	snop  }
0x7: {  	_ = 	snop  }
__scs_overlays_trampoline_lowered:
0x8: {  	[smem:$0x3FAC] =	sst s0  }
0x9: {  	[smem:$0x3FAD] =	sst s1  }
0xa: {  	[smem:$0x3FAE] =	sst s2  }
0xb: {  	[smem:$0x3FAF] =	sst s3  }
0xc: {  	[smem:$0x3FB0] =	sst s4  }
0xd: {  	[smem:$0x3FB1] =	sst s5  }
0xe: {  	[smem:$0x3FB2] =	sst s6  }
0xf: {  	[smem:$0x3FB3] =	sst s7  }
0x10: {  	[smem:$0x3FB4] =	sst s8  }
0x11: {  	[smem:$0x3FB5] =	sst s9;
	s0 =	simm.s32 @!p0 $0x0  }
0x12: {  	s1 =	sld [smem:$0x3F9B];
	s0 =	simm.s32 @p0 $0x1  }
0x13: {  	[smem:$0x3FB6] =	sst s0;
	s0 =	simm.s32 @!p1 $0x0  }
0x14: {  	s2 =	sld [smem:$0x3F9A];
	s0 =	simm.s32 @p1 $0x1  }
0x15: {  	[smem:$0x3FB7] =	sst s0;
	s0 =	simm.s32 @!p2 $0x0  }
0x16: {  	s3 =	sld [smem:$0x3FDB];
	s0 =	simm.s32 @p2 $0x1  }
0x17: {  	s4 =	simm.s32 $0x1BF5;
	[smem:$0x3FB9] =	sst s0  }
0x18: {  	s0 =	sld [smem:$0x3F9C];
	_ =	swait.ge [sflag:s4], $0x0  }
0x19: {  	s7 =	sld [smem:$0x3F9D]  }
0x1a: {  	s8 =	sadd.s32 $0xFFFFE003, lr  }
0x1b: {  	s9 =	sadd.s32 $0xFFFFFEF7, lr;
	s5 =	simm.s32 $0xFFFFFFFF;
	p2 =	slt.u32 s8, $0xFFFFF086  }
0x1c: {  	p1 =	slt.u32 s9, $0xF7A;
	s5 =	simm.s32 @!p2 $0x0  }
0x1d: {  	s5 =	simm.s32 @p1 $0x1;
	p0 =	seq.s32 s7, s2  }
0x1e: {  	s7 =	smul.u32 @!p0 $0xF7A, s2;
	p2 =	seq.s32 @!p0 s5, $0x0  }
0x1f: {  	s9 =	smul.u32 $0xF7A, s1;
	s8 =	simm.s32 @!p0 $0x1BF5;
	p2 =	por !p2, p0  }
0x20: {  	[sflag:s8] =	ssyncset.s32 @!p0 $0xFFFFF086;
	s6 =	sadd.s32 @!p0 s3, s7;
	s7 =	simm.s32 @!p0 $0x108  }
0x21: {  	s3 =	sadd.s32 s3, s9;
	s6 =	sadd.s32 @!p0 $0x88, s6;
	s7 =	simm.s32 @p2 $0x1082  }
0x22: {  	[simem:s7], [sflag:s8] =	dma.local @!p0 [hbm:s6], $0xF7A  }
0x23: {  	s9 =	sor.u32 $0xD0000000, s2;
	s6 =	simm.s32 $0x108;
	_ =	swait.ge @!p0 [sflag:s8], $0x0  }
0x24: {  	s3 =	sadd.s32 $0x88, s3;
	s6 =	simm.s32 @!p1 $0x1082;
	[sflag:s4] =	ssyncset.s32 $0xFFFFF086  }
0x25: {  	[simem:s6], [sflag:s4] =	dma.local [hbm:s3], $0xF7A  }
0x26: {  	[smem:$0x3F9D] =	sst s1;
	(tag) =	ssettag s2;
	_ =	strace s9  }
0x27: {  	s1 =	sld [smem:$0x3FAD]  }
0x28: {  	s2 =	sld [smem:$0x3FAE]  }
0x29: {  	s4 =	sld [smem:$0x3FB0]  }
0x2a: {  	p0 =	seq.s32 s5, $0x0;
	s5 =	sld [smem:$0x3FB1]  }
0x2b: {  	s6 =	sld [smem:$0x3FB2]  }
0x2c: {  	s7 =	sld [smem:$0x3FB3]  }
0x2d: {  	s3 =	simm.s32 $0x108;
	s8 =	sld [smem:$0x3FB4]  }
0x2e: {  	s3 =	simm.s32 @!p0 $0x1082;
	s9 =	sld [smem:$0x3FB5]  }
0x2f: {  	lr =	sadd.s32 s0, s3;
	s0 =	sld [smem:$0x3FAC]  }
0x30: {  	s3 =	sld [smem:$0x3FAF]  }
0x31: {  	[smem:$0x3FB8] =	sst s10  }
0x32: {  	s10 =	sld [smem:$0x3FB6];
	_ =	sdelay $0x3  }
0x33: {  	p0 =	seq.s32 s10, $0x1;
	s10 =	sld [smem:$0x3FB8];
	_ =	sdelay $0x3  }
0x34: {  	[smem:$0x3FB8] =	sst s10  }
0x35: {  	s10 =	sld [smem:$0x3FB7];
	_ =	sdelay $0x3  }
0x36: {  	p1 =	seq.s32 s10, $0x1;
	s10 =	sld [smem:$0x3FB8];
	_ =	sdelay $0x3  }
0x37: {  	[smem:$0x3FB8] =	sst s10  }
0x38: {  	s10 =	sld [smem:$0x3FB9]  }
0x39: {  	_ = 	snop;
	(pc) =	sbr.ind lr, $3  }
0x3a: {  	_ = 	snop  }
0x3b: {  	_ = 	snop  }
0x3c: {  	p2 =	seq.s32 s10, $0x1;
	s10 =	sld [smem:$0x3FB8]  }
0x3d: {  	_ =	shalt  }
0x3e: {  	_ =	shalt  }
0x3f: {  	_ =	shalt  }
0x40: {  	_ =	shalt  }
0x41: {  	_ =	shalt  }
0x42: {  	_ =	shalt  }
0x43: {  	_ =	shalt  }
0x44: {  	_ =	shalt  }
0x45: {  	_ =	shalt  }
0x46: {  	_ =	shalt  }
0x47: {  	_ =	shalt  }
0x48: {  	_ =	shalt  }
0x49: {  	_ =	shalt  }
0x4a: {  	_ =	shalt  }
0x4b: {  	_ =	shalt  }
0x4c: {  	_ =	shalt  }
0x4d: {  	_ =	shalt  }
0x4e: {  	_ =	shalt  }
0x4f: {  	_ =	shalt  }
0x50: {  	_ =	shalt  }
0x51: {  	_ =	shalt  }
0x52: {  	_ =	shalt  }
0x53: {  	_ =	shalt  }
0x54: {  	_ =	shalt  }
0x55: {  	_ =	shalt  }
0x56: {  	_ =	shalt  }
0x57: {  	_ =	shalt  }
0x58: {  	_ =	shalt  }
0x59: {  	_ =	shalt  }
0x5a: {  	_ =	shalt  }
0x5b: {  	_ =	shalt  }
0x5c: {  	_ =	shalt  }
0x5d: {  	_ =	shalt  }
0x5e: {  	_ =	shalt  }
0x5f: {  	_ =	shalt  }
0x60: {  	_ =	shalt  }
0x61: {  	_ =	shalt  }
0x62: {  	_ =	shalt  }
0x63: {  	_ =	shalt  }
0x64: {  	_ =	shalt  }
0x65: {  	_ =	shalt  }
0x66: {  	_ =	shalt  }
0x67: {  	_ =	shalt  }
0x68: {  	_ =	shalt  }
0x69: {  	_ =	shalt  }
0x6a: {  	_ =	shalt  }
0x6b: {  	_ =	shalt  }
0x6c: {  	_ =	shalt  }
0x6d: {  	_ =	shalt  }
0x6e: {  	_ =	shalt  }
0x6f: {  	_ =	shalt  }
0x70: {  	_ =	shalt  }
0x71: {  	_ =	shalt  }
0x72: {  	_ =	shalt  }
0x73: {  	_ =	shalt  }
0x74: {  	_ =	shalt  }
0x75: {  	_ =	shalt  }
0x76: {  	_ =	shalt  }
0x77: {  	_ =	shalt  }
0x78: {  	_ =	shalt  }
0x79: {  	_ =	shalt  }
0x7a: {  	_ =	shalt  }
0x7b: {  	_ =	shalt  }
0x7c: {  	_ =	shalt  }
0x7d: {  	_ =	shalt  }
0x7e: {  	_ =	shalt  }
0x7f: {  	_ =	shalt  }
0x80: {  	_ =	shalt  }
0x81: {  	_ =	shalt  }
0x82: {  	_ =	shalt  }
0x83: {  	_ =	shalt  }
0x84: {  	_ =	shalt  }
0x85: {  	_ =	shalt  }
0x86: {  	_ =	shalt  }
0x87: {  	_ =	shalt  }
.Lfunc_end0:
.L_simem_size_0:
called_computation_lowered:
.L_overlay_start_0:
0x88: {  	s2 =	sld [smem:$0x3FD9]  }
0x89: {  	s3 =	sld [smem:$0x3FFE];
	_ =	sdelay $0x1  }
0x8a: {  	s1 =	srdreg.scid  }
0x8b: {  	s0 =	sand.u32 $0x1, s1  }
0x8c: {  	s17 =	sshll.u32 s0, $0xA;
	s2 =	sadd.s32 s3, s2  }
0x8d: {  	s2 =	sadd.s32 s2, s17  }
0x8e: {  	[smem:$0x3FC4] =	sst s2  }
0x8f: {  	_ = 	snop  }
0x90: {  	s2 =	sld [smem:$0x3FC9]  }
0x91: {  	s18 =	sld [smem:$0x3FD0];
	(tm) =	ssettm $0x1  }
0x92: {  	s4 =	sld [smem:$0x3FFB];
	_ =	sdelay $0x3  }
0x93: {  	_ =	strace s4  }
0x94: {  	s4 =	sld [smem:$0x3FFC];
	_ =	sdelay $0x3  }
0x95: {  	_ =	strace s4  }
0x96: {  	s4 =	sld [smem:$0x3FFD];
	_ =	sdelay $0x3  }
0x97: {  	_ =	strace s4  }
0x98: {  	_ =	strace $0x8FFFFFFF  }
0x99: {  	s19 =	sld [smem:$0x3FDB];
	_ =	sdelay $0x1  }
0x9a: {  	s5 =	simm.s32 $_scs_section_size  }
0x9b: {  	s6 =	simm.s32 $_size__tile_overlayer_lowered;
	s7 =	simm.s32 $_tile_overlayer_lowered  }
0x9c: {  	s22 =	simm.s32 $0x1BFF;
	s21 =	sshll.u32 s7, $0x1;
	s4 =	sadd.s32 s5, s19  }
0x9d: {  	s8 =	simm.s32 $0x0;
	s20 =	sshll.u32 s6, $0x1;
	s6 =	sadd.s32 s21, s4  }
0x9e: {  	[timem:s8], [sflag:s22] =	dma.local [hbm:s6], s20  }
0x9f: {  	_ =	swait.ge [sflag:s22], s20  }
0xa0: {  	s5 =	ssub.s32 $0x0, s20;
	[sflag:s22] =	ssyncset.done $0x0  }
0xa1: {  	[sflag:s22] =	ssyncadd.s32 s5;
	_ =	sdelay $0x1  }
0xa2: {  	s23 =	simm.s32 $0x1B8B  }
0xa3: {  	_ =	swait.ge [sflag:s23], $0x1  }
0xa4: {  	[sflag:s23] =	ssyncset.done $0x0  }
0xa5: {  	s25 =	simm.s32 $0x1B8E;
	s24 =	sld [smem:$0x3FFE];
	[sflag:s23] =	ssyncadd.s32 $0xFFFFFFFF  }
0xa6: {  	s26 =	simm.s32 $execute0_lowered;
	[smem:$0x3FD2] =	sst s25  }
0xa7: {  	s6 =	sshll.u32 s26, $0x1;
	_ =	strace $0x80000046;
	[dreg:$0x1] =	wrdreg $0xFFFFFFFF  }
0xa8: {  	s28 =	simm.s32 $_size_execute0_lowered;
	s4 =	sadd.s32 s4, s6;
	[dreg:$0x0] =	wrdreg $0x0  }
0xa9: {  	s6 =	sshll.u32 s28, $0x1;
	[dreg:$0x2] =	wrdreg s4  }
0xaa: {  	[dreg:$0x3] =	wrdreg s6  }
0xab: {  	[dreg:$0x4] =	wrdreg $0xC0  }
0xac: {  	_ =	task [dreg:s8], $0x5FFFF  }
0xad: {  	[dreg:$0x1] =	wrdreg $0xFFFFFFFF  }
0xae: {  	[dreg:$0x0] =	wrdreg $0x60  }
0xaf: {  	[dreg:$0x2] =	wrdreg s24  }
0xb0: {  	[dreg:$0x3] =	wrdreg s2  }
0xb1: {  	[dreg:$0x4] =	wrdreg s18  }
0xb2: {  	[dreg:$0x5] =	wrdreg $0x9  }
0xb3: {  	_ =	task.clear_ibuf [dreg:s8], $0x6FFFF;
	_ =	strace $0x90000046  }
0xb4: {  	s29 =	simm.s32 $0x9;
	_ =	strace $0x80000048  }
0xb5: {  	_ =	swait.ge [sflag:s29], $0x1  }
0xb6: {  	[sflag:s29] =	ssyncadd.s32 $0xFFFFFFFF  }
0xb7: {  	_ =	strace $0x90000048  }
0xb8: {  	_ =	sfence  }
0xb9: {  	s30 =	sld [smem:$0x0];
	_ =	sdelay $0x2  }
0xba: {  	s31 =	sshll.u32 s1, $0xD;
	s1 =	sshrl.u32 s1, $0x2  }
0xbb: {  	s3 =	sand.u32 $0x4000, s31;
	s1 =	sadd.s32 s1, s30  }
0xbc: {  	s0 =	sor.u32 s3, s0;
	s1 =	sshll.u32 s1, $0x11  }
0xbd: {  	s0 =	sor.u32 s1, s0  }
0xbe: {  	s0 =	sadd.s32 $0x8F2B, s0  }
0xbf: {  	[sflag:s0] =	ssyncadd.remote.s32 $0x1  }
0xc0: {  	_ =	sfence.sel $0xFFFF  }
0xc1: {  	[dreg:$0x0] =	wrdreg $0xFFFFFFFF;
	(pc) =	sbr.abs _section_cstart, $3  }
0xc2: {  	[dreg:$0x1] =	wrdreg $0xFFFFFFFF  }
0xc3: {  	_ =	task.clear_ibuf [dreg:s8], $0x2FFFF;
	_ =	strace $0x9FFFFFFF  }
0xc4: {  	(tm) =	ssettm $0x7FFFFFFF  }
0xc5: {  	_ =	shalt  }
tec
execute0_lowered:
.L_overlay_start_1:
0x0: {  	(tag) =	ssettag $0x1  }
0x1: {  	s0 =	rddreg [dreg:$0x0]  }
0x2: {  	s1 =	rddreg [dreg:$0x1];
	s2 =	srdreg.scid  }
0x3: {  	s5 =	stileid.u32;
	s4 =	rddreg [dreg:$0x2]  }
0x4: {  	s9 =	simm.s32 $0x1;
	s10 =	simm.s32 $0xAA00;
	s11 =	simm.s32 $0x2  }
0x5: {  	s12 =	simm.s32 $0x0;
	s3 =	sand.u32 $0x1, s2;
	s5 =	sshll.u32 s5, $0x1  }
0x6: {  	s2 =	simm.s32 $0x0;
	s0 =	sadd.s32 $0xA00, s0;
	s5 =	sor.u32 s3, s5  }
0x7: {  	[smem:$0x7FF] =	sst s2;
	s6 =	ssub.s32 $0x2, s3;
	s15 =	sshll.u32 s5, $0x9  }
0x8: {  	_ =	strace $0x80000047;
	s7 =	sshrl.u32 s6, $0x1;
	s3 =	sadd.s32 s1, s15  }
0x9: {  	[dreg:$0x4] =	wrdreg s0;
	s19 =	smul.u32 $0x880, s5;
	s1 =	sadd.s32 $0x10, s3  }
0xa: {  	s16 =	ssub.s32 s6, s7;
	s17 =	sadd.s32 $0x20, s3;
	[dreg:$0x5] =	wrdreg s1  }
0xb: {  	v0 =	vlaneseq.u32;
	s18 =	sadd.s32 $0x30, s3;
	s20 =	sadd.s32 $0x40, s3;
	[dreg:$0x6] =	wrdreg s17  }
0xc: {  	v0 =	vmul.u32 $0x22, v0;
	s21 =	sadd.s32 $0x50, s3;
	s22 =	sadd.s32 $0x60, s3;
	[dreg:$0x7] =	wrdreg s18  }
0xd: {  	s23 =	sadd.s32 $0x70, s3;
	s0 =	smax.u32 s16, $0x1;
	[dreg:$0x8] =	wrdreg s20  }
0xe: {  	v1 =	vor.u32 $0x1, v0;
	v2 =	vadd.s32 $0x2, v0;
	v3 =	vadd.s32 $0x3, v0;
	s24 =	sadd.s32 $0x80, s3;
	s25 =	sadd.s32 $0x100, s3;
	[dreg:$0x9] =	wrdreg s21  }
0xf: {  	v4 =	vadd.s32 $0x4, v0;
	v5 =	vadd.s32 $0x5, v0;
	v6 =	vadd.s32 $0x6, v0;
	s26 =	sadd.s32 $0x180, s3;
	s28 =	sadd.s32 $0x140, s3;
	[dreg:$0xa] =	wrdreg s22  }
0x10: {  	v7 =	vadd.s32 $0x7, v0;
	v8 =	vadd.s32 $0x8, v0;
	v9 =	vadd.s32 $0x9, v0;
	s29 =	sadd.s32 $0x1C0, s3;
	s30 =	sadd.s32 $0xD0, s3;
	[dreg:$0xb] =	wrdreg s23  }
0x11: {  	v10 =	vadd.s32 $0xA, v0;
	v11 =	vadd.s32 $0xB, v0;
	v12 =	vadd.s32 $0xC, v0;
	s31 =	sadd.s32 $0x150, s3;
	s5 =	sadd.s32 $0x1E0, s3;
	[dreg:$0xd] =	wrdreg s0  }
0x12: {  	v13 =	vadd.s32 $0xD, v0;
	v14 =	vadd.s32 $0xE, v0;
	v15 =	vadd.s32 $0xF, v0;
	s6 =	sadd.s32 $0xF0, s3;
	s7 =	sadd.s32 $0x170, s3;
	[dreg:$0xe] =	wrdreg s24  }
0x13: {  	v16 =	vadd.s32 $0x10, v0;
	v17 =	vadd.s32 $0x11, v0;
	v18 =	vadd.s32 $0x12, v0;
	s8 =	sadd.s32 $0x1F0, s3;
	s1 =	sadd.s32 s4, s19;
	[dreg:$0xf] =	wrdreg s25  }
0x14: {  	v19 =	vadd.s32 $0x13, v0;
	v20 =	vadd.s32 $0x14, v0;
	v21 =	vadd.s32 $0x15, v0;
	[dreg:$0x10] =	wrdreg s26;
	s17 =	sadd.s32 $0x90, s3;
	s18 =	sadd.s32 $0x110, s3  }
0x15: {  	v22 =	vadd.s32 $0x16, v0;
	v23 =	vadd.s32 $0x17, v0;
	v24 =	vadd.s32 $0x18, v0;
	s19 =	sadd.s32 $0x190, s3;
	s20 =	sadd.s32 $0xA0, s3;
	s21 =	sadd.s32 $0x120, s3  }
0x16: {  	v25 =	vadd.s32 $0x19, v0;
	v26 =	vadd.s32 $0x1A, v0;
	v27 =	vadd.s32 $0x1B, v0;
	s22 =	sadd.s32 $0x1A0, s3;
	s23 =	sadd.s32 $0xB0, s3;
	s24 =	sadd.s32 $0x130, s3  }
0x17: {  	v28 =	vadd.s32 $0x1C, v0;
	v29 =	vadd.s32 $0x1D, v0;
	v30 =	vadd.s32 $0x1E, v0;
	s25 =	sadd.s32 $0x1B0, s3;
	s26 =	sadd.s32 $0xC0, s3;
	s0 =	sadd.s32 $0xE0, s3  }
0x18: {  	v31 =	vadd.s32 $0x1F, v0;
	v32 =	vadd.s32 $0x20, v0;
	v33 =	vadd.s32 $0x21, v0;
	s4 =	sadd.s32 $0x160, s3;
	[dreg:$0xc] =	wrdreg s1;
	s1 =	sadd.s32 $0x1D0, s3  }
.LBB2_1:
0x19: {  	s13 =	rddreg [dreg:$0x4]  }
0x1a: {  	[tilespmem:s2], [sflag:$0x1] =	stream.linear.gather [hbm4b:s13+s2], $0x9A00, $0x38;
	[tilespmem:$0xEE00] =	vst v63  }
0x1b: {  	s15 =	simm.s32 $0x9A00  }
0x1c: {  	[tilespmem:s15], [sflag:$0x1] =	stream.linear.gather [hbm4b:s3+s2], $0x80, $0x38;
	[tilespmem:$0xEE00] =	vst v63  }
0x1d: {  	s16 =	rddreg [dreg:$0xe];
	s14 =	simm.s32 $0x9E00  }
0x1e: {  	[tilespmem:s14], [sflag:$0x1] =	stream.linear.gather [hbm4b:s16+s2], $0x80, $0x38;
	[tilespmem:$0xEE00] =	vst v63  }
0x1f: {  	s15 =	rddreg [dreg:$0xf];
	s16 =	simm.s32 $0xA200  }
0x20: {  	[tilespmem:s16], [sflag:$0x1] =	stream.linear.gather [hbm4b:s15+s2], $0x80, $0x38;
	[tilespmem:$0xEE00] =	vst v63  }
0x21: {  	s15 =	rddreg [dreg:$0x10];
	s16 =	simm.s32 $0xA600  }
0x22: {  	[tilespmem:s16], [sflag:$0x1] =	stream.linear.gather [hbm4b:s15+s2], $0x80, $0x38;
	[tilespmem:$0xEE00] =	vst v63  }
0x23: {  	s15 =	rddreg [dreg:$0x5];
	s16 =	simm.s32 $0x9A80  }
0x24: {  	[tilespmem:s16], [sflag:$0x1] =	stream.linear.gather [hbm4b:s15+s2], $0x80, $0x38;
	[tilespmem:$0xEE00] =	vst v63  }
0x25: {  	s15 =	simm.s32 $0x9E80  }
0x26: {  	[tilespmem:s15], [sflag:$0x1] =	stream.linear.gather [hbm4b:s17+s2], $0x80, $0x38;
	[tilespmem:$0xEE00] =	vst v63  }
0x27: {  	s16 =	simm.s32 $0xA280  }
0x28: {  	[tilespmem:s16], [sflag:$0x1] =	stream.linear.gather [hbm4b:s18+s2], $0x80, $0x38;
	[tilespmem:$0xEE00] =	vst v63  }
0x29: {  	s14 =	simm.s32 $0xA680  }
0x2a: {  	[tilespmem:s14], [sflag:$0x1] =	stream.linear.gather [hbm4b:s19+s2], $0x80, $0x38;
	[tilespmem:$0xEE00] =	vst v63  }
0x2b: {  	s15 =	rddreg [dreg:$0x6];
	s16 =	simm.s32 $0x9B00  }
0x2c: {  	[tilespmem:s16], [sflag:$0x1] =	stream.linear.gather [hbm4b:s15+s2], $0x80, $0x38;
	[tilespmem:$0xEE00] =	vst v63  }
0x2d: {  	s15 =	simm.s32 $0x9F00  }
0x2e: {  	[tilespmem:s15], [sflag:$0x1] =	stream.linear.gather [hbm4b:s20+s2], $0x80, $0x38;
	[tilespmem:$0xEE00] =	vst v63  }
0x2f: {  	s16 =	simm.s32 $0xA300  }
0x30: {  	[tilespmem:s16], [sflag:$0x1] =	stream.linear.gather [hbm4b:s21+s2], $0x80, $0x38;
	[tilespmem:$0xEE00] =	vst v63  }
0x31: {  	s14 =	simm.s32 $0xA700  }
0x32: {  	[tilespmem:s14], [sflag:$0x1] =	stream.linear.gather [hbm4b:s22+s2], $0x80, $0x38;
	[tilespmem:$0xEE00] =	vst v63  }
0x33: {  	s15 =	rddreg [dreg:$0x7];
	s16 =	simm.s32 $0x9B80  }
0x34: {  	[tilespmem:s16], [sflag:$0x1] =	stream.linear.gather [hbm4b:s15+s2], $0x80, $0x38;
	[tilespmem:$0xEE00] =	vst v63  }
0x35: {  	s15 =	simm.s32 $0x9F80  }
0x36: {  	[tilespmem:s15], [sflag:$0x1] =	stream.linear.gather [hbm4b:s23+s2], $0x80, $0x38;
	[tilespmem:$0xEE00] =	vst v63  }
0x37: {  	s16 =	simm.s32 $0xA380  }
0x38: {  	[tilespmem:s16], [sflag:$0x1] =	stream.linear.gather [hbm4b:s24+s2], $0x80, $0x38;
	[tilespmem:$0xEE00] =	vst v63  }
0x39: {  	s14 =	simm.s32 $0xA780  }
0x3a: {  	[tilespmem:s14], [sflag:$0x1] =	stream.linear.gather [hbm4b:s25+s2], $0x80, $0x38;
	[tilespmem:$0xEE00] =	vst v63  }
0x3b: {  	s15 =	rddreg [dreg:$0x8];
	s16 =	simm.s32 $0x9C00  }
0x3c: {  	[tilespmem:s16], [sflag:$0x1] =	stream.linear.gather [hbm4b:s15+s2], $0x80, $0x38;
	[tilespmem:$0xEE00] =	vst v63  }
0x3d: {  	s15 =	simm.s32 $0xA000  }
0x3e: {  	[tilespmem:s15], [sflag:$0x1] =	stream.linear.gather [hbm4b:s26+s2], $0x80, $0x38;
	[tilespmem:$0xEE00] =	vst v63  }
0x3f: {  	s16 =	simm.s32 $0xA400  }
0x40: {  	[tilespmem:s16], [sflag:$0x1] =	stream.linear.gather [hbm4b:s28+s2], $0x80, $0x38;
	[tilespmem:$0xEE00] =	vst v63  }
0x41: {  	s14 =	simm.s32 $0xA800  }
0x42: {  	[tilespmem:s14], [sflag:$0x1] =	stream.linear.gather [hbm4b:s29+s2], $0x80, $0x38;
	[tilespmem:$0xEE00] =	vst v63  }
0x43: {  	s15 =	rddreg [dreg:$0x9];
	s16 =	simm.s32 $0x9C80  }
0x44: {  	[tilespmem:s16], [sflag:$0x1] =	stream.linear.gather [hbm4b:s15+s2], $0x80, $0x38;
	[tilespmem:$0xEE00] =	vst v63  }
0x45: {  	s15 =	simm.s32 $0xA080  }
0x46: {  	[tilespmem:s15], [sflag:$0x1] =	stream.linear.gather [hbm4b:s30+s2], $0x80, $0x38;
	[tilespmem:$0xEE00] =	vst v63  }
0x47: {  	s16 =	simm.s32 $0xA480  }
0x48: {  	[tilespmem:s16], [sflag:$0x1] =	stream.linear.gather [hbm4b:s31+s2], $0x80, $0x38;
	[tilespmem:$0xEE00] =	vst v63  }
0x49: {  	s14 =	simm.s32 $0xA880  }
0x4a: {  	[tilespmem:s14], [sflag:$0x1] =	stream.linear.gather [hbm4b:s1+s2], $0x80, $0x38;
	[tilespmem:$0xEE00] =	vst v63  }
0x4b: {  	s15 =	rddreg [dreg:$0xa];
	s16 =	simm.s32 $0x9D00  }
0x4c: {  	[tilespmem:s16], [sflag:$0x1] =	stream.linear.gather [hbm4b:s15+s2], $0x80, $0x38;
	[tilespmem:$0xEE00] =	vst v63  }
0x4d: {  	s15 =	simm.s32 $0xA100  }
0x4e: {  	[tilespmem:s15], [sflag:$0x1] =	stream.linear.gather [hbm4b:s0+s2], $0x80, $0x38;
	[tilespmem:$0xEE00] =	vst v63  }
0x4f: {  	s16 =	simm.s32 $0xA500  }
0x50: {  	[tilespmem:s16], [sflag:$0x1] =	stream.linear.gather [hbm4b:s4+s2], $0x80, $0x38;
	[tilespmem:$0xEE00] =	vst v63  }
0x51: {  	s14 =	simm.s32 $0xA900  }
0x52: {  	[tilespmem:s14], [sflag:$0x1] =	stream.linear.gather [hbm4b:s5+s2], $0x80, $0x38;
	[tilespmem:$0xEE00] =	vst v63  }
0x53: {  	s15 =	rddreg [dreg:$0xb];
	s16 =	simm.s32 $0x9D80  }
0x54: {  	[tilespmem:s16], [sflag:$0x1] =	stream.linear.gather [hbm4b:s15+s2], $0x80, $0x38;
	[tilespmem:$0xEE00] =	vst v63  }
0x55: {  	s14 =	simm.s32 $0xA180  }
0x56: {  	[tilespmem:s14], [sflag:$0x1] =	stream.linear.gather [hbm4b:s6+s2], $0x80, $0x38;
	[tilespmem:$0xEE00] =	vst v63  }
0x57: {  	s15 =	simm.s32 $0xA580  }
0x58: {  	[tilespmem:s15], [sflag:$0x1] =	stream.linear.gather [hbm4b:s7+s2], $0x80, $0x38;
	[tilespmem:$0xEE00] =	vst v63  }
0x59: {  	s16 =	simm.s32 $0xA980  }
0x5a: {  	[tilespmem:s16], [sflag:$0x1] =	stream.linear.gather [hbm4b:s8+s2], $0x80, $0x38;
	[tilespmem:$0xEE00] =	vst v63  }
0x5b: {  	_ =	swait.ge [sflag:s9], $0x9A00  }
0x5c: {  	[sflag:s9] =	ssyncset.done $0x0  }
0x5d: {  	[sflag:s9] =	ssyncadd.s32 $0xFFFF6600  }
0x5e: {  	_ =	swait.ge [sflag:s9], $0x200  }
0x5f: {  	[sflag:s9] =	ssyncset.done $0x0  }
0x60: {  	[sflag:s9] =	ssyncadd.s32 $0xFFFFFE00  }
0x61: {  	_ =	swait.ge [sflag:s9], $0x200  }
0x62: {  	[sflag:s9] =	ssyncset.done $0x0  }
0x63: {  	[sflag:s9] =	ssyncadd.s32 $0xFFFFFE00  }
0x64: {  	_ =	swait.ge [sflag:s9], $0x200  }
0x65: {  	[sflag:s9] =	ssyncset.done $0x0  }
0x66: {  	[sflag:s9] =	ssyncadd.s32 $0xFFFFFE00  }
0x67: {  	_ =	swait.ge [sflag:s9], $0x200  }
0x68: {  	[sflag:s9] =	ssyncset.done $0x0  }
0x69: {  	[sflag:s9] =	ssyncadd.s32 $0xFFFFFE00  }
0x6a: {  	_ =	swait.ge [sflag:s9], $0x200  }
0x6b: {  	[sflag:s9] =	ssyncset.done $0x0  }
0x6c: {  	[sflag:s9] =	ssyncadd.s32 $0xFFFFFE00  }
0x6d: {  	_ =	swait.ge [sflag:s9], $0x200  }
0x6e: {  	[sflag:s9] =	ssyncset.done $0x0  }
0x6f: {  	[sflag:s9] =	ssyncadd.s32 $0xFFFFFE00  }
0x70: {  	_ =	swait.ge [sflag:s9], $0x200  }
0x71: {  	[sflag:s9] =	ssyncset.done $0x0  }
0x72: {  	[sflag:s9] =	ssyncadd.s32 $0xFFFFFE00  }
0x73: {  	_ =	swait.ge [sflag:s9], $0x200  }
0x74: {  	[sflag:s9] =	ssyncset.done $0x0  }
0x75: {  	s13 =	simm.s32 $0x0;
	s14 =	simm.s32 $0x0;
	[sflag:s9] =	ssyncadd.s32 $0xFFFFFE00  }
.LBB2_2:
0x76: {  	s15 =	sand.u32 $0x70, s14;
	s16 =	sand.u32 $0xC00, s13  }
0x77: {  	s15 =	sor.u32 s15, s16  }
0x78: {  	v34 =	vld [tilespmem:s15+$0x9A00]  }
0x79: {  	v35 =	vld [tilespmem:s15+$0x9A80]  }
0x7a: {  	v36 =	vld [tilespmem:s15+$0x9B00]  }
0x7b: {  	v37 =	vld [tilespmem:s15+$0x9B80]  }
0x7c: {  	v38 =	vld [tilespmem:s15+$0x9C00]  }
0x7d: {  	s16 =	sor.u32 s13, s14;
	v39 =	vld [tilespmem:s15+$0x9D00]  }
0x7e: {  	v40 =	vld [tilespmem:s15+$0x9C80];
	s16 =	sor.u32 $0x380, s16  }
0x7f: {  	v41 =	vld [tilespmem:s16+$0x9A00];
	v34 =	vmul.u32 $0x22, v34  }
0x80: {  	v36 =	vmul.u32 $0x22, v36  }
0x81: {  	v47 =	vmul.u32 $0x22, v38;
	v34 =	vadd.s32 v35, v34  }
0x82: {  	v48 =	vmul.u32 $0x22, v39;
	v36 =	vadd.s32 v37, v36;
	v34 =	vmul.u32 $0x22, v34  }
0x83: {  	v38 =	vadd.s32 v40, v47;
	v35 =	vmul.u32 $0x22, v36  }
0x84: {  	v37 =	vadd.s32 v41, v48;
	v36 =	vmul.u32 $0x22, v38  }
0x85: {  	v37 =	vmul.u32 $0x22, v37;
	_ =	sdelay $0x2  }
0x86: {  	v49 =	vld.idx.msk [tilespmem:v34+s2+$0x0], $0xffff  }
0x87: {  	v50 =	vld.idx.msk [tilespmem:v35+s2+$0x0], $0xffff  }
0x88: {  	v51 =	vmov s14;
	v52 =	vld.idx.msk [tilespmem:v36+s2+$0x0], $0xffff  }
0x89: {  	v38 =	vmul.u32 $0x22, v51;
	v42 =	vld.idx.msk [tilespmem:v37+s2+$0x0], $0xffff;
	_ =	sdelay $0x1  }
0x8a: {  	v38 =	vbroadcast v38, $0x0;
	_ =	sdelay $0x1  }
0x8b: {  	v43 =	vadd.s32 v0, v38  }
0x8c: {  	v54 =	vor.u32 $0x1, v34;
	v39 =	vadd.f32 v50, v49;
	v53 =	vadd.f32 v42, v52  }
0x8d: {  	v55 =	vor.u32 $0x1, v35  }
0x8e: {  	v56 =	vor.u32 $0x1, v36;
	v39 =	vadd.f32 v53, v39  }
0x8f: {  	v44 =	vor.u32 $0x1, v37  }
0x90: {  	[tilespmem:v43+s10+$0x0] =	vst.idx.msk $0xffff, v39  }
0x91: {  	v39 =	vld.idx.msk [tilespmem:v54+s2+$0x0], $0xffff  }
0x92: {  	v57 =	vld.idx.msk [tilespmem:v55+s2+$0x0], $0xffff  }
0x93: {  	v40 =	vld.idx.msk [tilespmem:v56+s2+$0x0], $0xffff  }
0x94: {  	v58 =	vld.idx.msk [tilespmem:v44+s2+$0x0], $0xffff;
	_ =	sdelay $0x3  }
0x95: {  	v59 =	vadd.s32 v1, v38  }
0x96: {  	v60 =	vadd.s32 $0x2, v34;
	v39 =	vadd.f32 v57, v39;
	v40 =	vadd.f32 v58, v40  }
0x97: {  	v61 =	vadd.s32 $0x2, v35  }
0x98: {  	v62 =	vadd.s32 $0x2, v36;
	v39 =	vadd.f32 v40, v39  }
0x99: {  	v63 =	vadd.s32 $0x2, v37  }
0x9a: {  	[tilespmem:v59+s10+$0x0] =	vst.idx.msk $0xffff, v39  }
0x9b: {  	v39 =	vld.idx.msk [tilespmem:v60+s2+$0x0], $0xffff  }
0x9c: {  	v47 =	vld.idx.msk [tilespmem:v61+s2+$0x0], $0xffff  }
0x9d: {  	v40 =	vld.idx.msk [tilespmem:v62+s2+$0x0], $0xffff  }
0x9e: {  	v48 =	vld.idx.msk [tilespmem:v63+s2+$0x0], $0xffff;
	_ =	sdelay $0x3  }
0x9f: {  	v49 =	vadd.s32 v2, v38  }
0xa0: {  	v50 =	vadd.s32 $0x3, v34;
	v39 =	vadd.f32 v47, v39;
	v40 =	vadd.f32 v48, v40  }
0xa1: {  	v51 =	vadd.s32 $0x3, v35  }
0xa2: {  	v52 =	vadd.s32 $0x3, v36;
	v39 =	vadd.f32 v40, v39  }
0xa3: {  	v53 =	vadd.s32 $0x3, v37  }
0xa4: {  	[tilespmem:v49+s10+$0x0] =	vst.idx.msk $0xffff, v39  }
0xa5: {  	v39 =	vld.idx.msk [tilespmem:v50+s2+$0x0], $0xffff  }
0xa6: {  	v54 =	vld.idx.msk [tilespmem:v51+s2+$0x0], $0xffff  }
0xa7: {  	v40 =	vld.idx.msk [tilespmem:v52+s2+$0x0], $0xffff  }
0xa8: {  	v55 =	vld.idx.msk [tilespmem:v53+s2+$0x0], $0xffff;
	_ =	sdelay $0x3  }
0xa9: {  	v56 =	vadd.s32 v3, v38  }
0xaa: {  	v57 =	vadd.s32 $0x4, v34;
	v39 =	vadd.f32 v54, v39;
	v40 =	vadd.f32 v55, v40  }
0xab: {  	v58 =	vadd.s32 $0x4, v35  }
0xac: {  	v59 =	vadd.s32 $0x4, v36;
	v39 =	vadd.f32 v40, v39  }
0xad: {  	v60 =	vadd.s32 $0x4, v37  }
0xae: {  	[tilespmem:v56+s10+$0x0] =	vst.idx.msk $0xffff, v39  }
0xaf: {  	v39 =	vld.idx.msk [tilespmem:v57+s2+$0x0], $0xffff  }
0xb0: {  	v61 =	vld.idx.msk [tilespmem:v58+s2+$0x0], $0xffff  }
0xb1: {  	v40 =	vld.idx.msk [tilespmem:v59+s2+$0x0], $0xffff  }
0xb2: {  	v62 =	vld.idx.msk [tilespmem:v60+s2+$0x0], $0xffff;
	_ =	sdelay $0x3  }
0xb3: {  	v63 =	vadd.s32 v4, v38  }
0xb4: {  	v48 =	vadd.s32 $0x5, v34;
	v39 =	vadd.f32 v61, v39;
	v40 =	vadd.f32 v62, v40  }
0xb5: {  	v49 =	vadd.s32 $0x5, v35  }
0xb6: {  	v50 =	vadd.s32 $0x5, v36;
	v39 =	vadd.f32 v40, v39  }
0xb7: {  	v51 =	vadd.s32 $0x5, v37  }
0xb8: {  	[tilespmem:v63+s10+$0x0] =	vst.idx.msk $0xffff, v39  }
0xb9: {  	v39 =	vld.idx.msk [tilespmem:v48+s2+$0x0], $0xffff  }
0xba: {  	v52 =	vld.idx.msk [tilespmem:v49+s2+$0x0], $0xffff  }
0xbb: {  	v40 =	vld.idx.msk [tilespmem:v50+s2+$0x0], $0xffff  }
0xbc: {  	v53 =	vld.idx.msk [tilespmem:v51+s2+$0x0], $0xffff;
	_ =	sdelay $0x3  }
0xbd: {  	v54 =	vadd.s32 v5, v38  }
0xbe: {  	v55 =	vadd.s32 $0x6, v34;
	v39 =	vadd.f32 v52, v39;
	v40 =	vadd.f32 v53, v40  }
0xbf: {  	v56 =	vadd.s32 $0x6, v35  }
0xc0: {  	v57 =	vadd.s32 $0x6, v36;
	v39 =	vadd.f32 v40, v39  }
0xc1: {  	v58 =	vadd.s32 $0x6, v37  }
0xc2: {  	[tilespmem:v54+s10+$0x0] =	vst.idx.msk $0xffff, v39  }
0xc3: {  	v39 =	vld.idx.msk [tilespmem:v55+s2+$0x0], $0xffff  }
0xc4: {  	v59 =	vld.idx.msk [tilespmem:v56+s2+$0x0], $0xffff  }
0xc5: {  	v40 =	vld.idx.msk [tilespmem:v57+s2+$0x0], $0xffff  }
0xc6: {  	v60 =	vld.idx.msk [tilespmem:v58+s2+$0x0], $0xffff;
	_ =	sdelay $0x3  }
0xc7: {  	v61 =	vadd.s32 v6, v38  }
0xc8: {  	v62 =	vadd.s32 $0x7, v34;
	v39 =	vadd.f32 v59, v39;
	v40 =	vadd.f32 v60, v40  }
0xc9: {  	v63 =	vadd.s32 $0x7, v35  }
0xca: {  	v48 =	vadd.s32 $0x7, v36;
	v39 =	vadd.f32 v40, v39  }
0xcb: {  	v49 =	vadd.s32 $0x7, v37  }
0xcc: {  	[tilespmem:v61+s10+$0x0] =	vst.idx.msk $0xffff, v39  }
0xcd: {  	v39 =	vld.idx.msk [tilespmem:v62+s2+$0x0], $0xffff  }
0xce: {  	v50 =	vld.idx.msk [tilespmem:v63+s2+$0x0], $0xffff  }
0xcf: {  	v40 =	vld.idx.msk [tilespmem:v48+s2+$0x0], $0xffff  }
0xd0: {  	v51 =	vld.idx.msk [tilespmem:v49+s2+$0x0], $0xffff;
	_ =	sdelay $0x3  }
0xd1: {  	v52 =	vadd.s32 v7, v38  }
0xd2: {  	v53 =	vadd.s32 $0x8, v34;
	v39 =	vadd.f32 v50, v39;
	v40 =	vadd.f32 v51, v40  }
0xd3: {  	v54 =	vadd.s32 $0x8, v35  }
0xd4: {  	v55 =	vadd.s32 $0x8, v36;
	v39 =	vadd.f32 v40, v39  }
0xd5: {  	v56 =	vadd.s32 $0x8, v37  }
0xd6: {  	[tilespmem:v52+s10+$0x0] =	vst.idx.msk $0xffff, v39  }
0xd7: {  	v39 =	vld.idx.msk [tilespmem:v53+s2+$0x0], $0xffff  }
0xd8: {  	v57 =	vld.idx.msk [tilespmem:v54+s2+$0x0], $0xffff  }
0xd9: {  	v40 =	vld.idx.msk [tilespmem:v55+s2+$0x0], $0xffff  }
0xda: {  	v58 =	vld.idx.msk [tilespmem:v56+s2+$0x0], $0xffff;
	_ =	sdelay $0x3  }
0xdb: {  	v59 =	vadd.s32 v8, v38  }
0xdc: {  	v60 =	vadd.s32 $0x9, v34;
	v39 =	vadd.f32 v57, v39;
	v40 =	vadd.f32 v58, v40  }
0xdd: {  	v61 =	vadd.s32 $0x9, v35  }
0xde: {  	v62 =	vadd.s32 $0x9, v36;
	v39 =	vadd.f32 v40, v39  }
0xdf: {  	v63 =	vadd.s32 $0x9, v37  }
0xe0: {  	[tilespmem:v59+s10+$0x0] =	vst.idx.msk $0xffff, v39  }
0xe1: {  	v39 =	vld.idx.msk [tilespmem:v60+s2+$0x0], $0xffff  }
0xe2: {  	v47 =	vld.idx.msk [tilespmem:v61+s2+$0x0], $0xffff  }
0xe3: {  	v40 =	vld.idx.msk [tilespmem:v62+s2+$0x0], $0xffff  }
0xe4: {  	v48 =	vld.idx.msk [tilespmem:v63+s2+$0x0], $0xffff;
	_ =	sdelay $0x3  }
0xe5: {  	v49 =	vadd.s32 v9, v38  }
0xe6: {  	v50 =	vadd.s32 $0xA, v34;
	v39 =	vadd.f32 v47, v39;
	v40 =	vadd.f32 v48, v40  }
0xe7: {  	v51 =	vadd.s32 $0xA, v35  }
0xe8: {  	v52 =	vadd.s32 $0xA, v36;
	v39 =	vadd.f32 v40, v39  }
0xe9: {  	v53 =	vadd.s32 $0xA, v37  }
0xea: {  	[tilespmem:v49+s10+$0x0] =	vst.idx.msk $0xffff, v39  }
0xeb: {  	v39 =	vld.idx.msk [tilespmem:v50+s2+$0x0], $0xffff  }
0xec: {  	v54 =	vld.idx.msk [tilespmem:v51+s2+$0x0], $0xffff  }
0xed: {  	v40 =	vld.idx.msk [tilespmem:v52+s2+$0x0], $0xffff  }
0xee: {  	v55 =	vld.idx.msk [tilespmem:v53+s2+$0x0], $0xffff;
	_ =	sdelay $0x3  }
0xef: {  	v56 =	vadd.s32 v10, v38  }
0xf0: {  	v57 =	vadd.s32 $0xB, v34;
	v39 =	vadd.f32 v54, v39;
	v40 =	vadd.f32 v55, v40  }
0xf1: {  	v58 =	vadd.s32 $0xB, v35  }
0xf2: {  	v59 =	vadd.s32 $0xB, v36;
	v39 =	vadd.f32 v40, v39  }
0xf3: {  	v60 =	vadd.s32 $0xB, v37  }
0xf4: {  	[tilespmem:v56+s10+$0x0] =	vst.idx.msk $0xffff, v39  }
0xf5: {  	v39 =	vld.idx.msk [tilespmem:v57+s2+$0x0], $0xffff  }
0xf6: {  	v61 =	vld.idx.msk [tilespmem:v58+s2+$0x0], $0xffff  }
0xf7: {  	v40 =	vld.idx.msk [tilespmem:v59+s2+$0x0], $0xffff  }
0xf8: {  	v62 =	vld.idx.msk [tilespmem:v60+s2+$0x0], $0xffff;
	_ =	sdelay $0x3  }
0xf9: {  	v63 =	vadd.s32 v11, v38  }
0xfa: {  	v48 =	vadd.s32 $0xC, v34;
	v39 =	vadd.f32 v61, v39;
	v40 =	vadd.f32 v62, v40  }
0xfb: {  	v49 =	vadd.s32 $0xC, v35  }
0xfc: {  	v50 =	vadd.s32 $0xC, v36;
	v39 =	vadd.f32 v40, v39  }
0xfd: {  	v51 =	vadd.s32 $0xC, v37  }
0xfe: {  	[tilespmem:v63+s10+$0x0] =	vst.idx.msk $0xffff, v39  }
0xff: {  	v39 =	vld.idx.msk [tilespmem:v48+s2+$0x0], $0xffff  }
0x100: {  	v52 =	vld.idx.msk [tilespmem:v49+s2+$0x0], $0xffff  }
0x101: {  	v40 =	vld.idx.msk [tilespmem:v50+s2+$0x0], $0xffff  }
0x102: {  	v53 =	vld.idx.msk [tilespmem:v51+s2+$0x0], $0xffff;
	_ =	sdelay $0x3  }
0x103: {  	v54 =	vadd.s32 v12, v38  }
0x104: {  	v55 =	vadd.s32 $0xD, v34;
	v39 =	vadd.f32 v52, v39;
	v40 =	vadd.f32 v53, v40  }
0x105: {  	v56 =	vadd.s32 $0xD, v35  }
0x106: {  	v57 =	vadd.s32 $0xD, v36;
	v39 =	vadd.f32 v40, v39  }
0x107: {  	v58 =	vadd.s32 $0xD, v37  }
0x108: {  	[tilespmem:v54+s10+$0x0] =	vst.idx.msk $0xffff, v39  }
0x109: {  	v39 =	vld.idx.msk [tilespmem:v55+s2+$0x0], $0xffff  }
0x10a: {  	v59 =	vld.idx.msk [tilespmem:v56+s2+$0x0], $0xffff  }
0x10b: {  	v40 =	vld.idx.msk [tilespmem:v57+s2+$0x0], $0xffff  }
0x10c: {  	v60 =	vld.idx.msk [tilespmem:v58+s2+$0x0], $0xffff;
	_ =	sdelay $0x3  }
0x10d: {  	v61 =	vadd.s32 v13, v38  }
0x10e: {  	v62 =	vadd.s32 $0xE, v34;
	v39 =	vadd.f32 v59, v39;
	v40 =	vadd.f32 v60, v40  }
0x10f: {  	v63 =	vadd.s32 $0xE, v35  }
0x110: {  	v48 =	vadd.s32 $0xE, v36;
	v39 =	vadd.f32 v40, v39  }
0x111: {  	v49 =	vadd.s32 $0xE, v37  }
0x112: {  	[tilespmem:v61+s10+$0x0] =	vst.idx.msk $0xffff, v39  }
0x113: {  	v39 =	vld.idx.msk [tilespmem:v62+s2+$0x0], $0xffff  }
0x114: {  	v50 =	vld.idx.msk [tilespmem:v63+s2+$0x0], $0xffff  }
0x115: {  	v40 =	vld.idx.msk [tilespmem:v48+s2+$0x0], $0xffff  }
0x116: {  	v51 =	vld.idx.msk [tilespmem:v49+s2+$0x0], $0xffff;
	_ =	sdelay $0x3  }
0x117: {  	v52 =	vadd.s32 v14, v38  }
0x118: {  	v53 =	vadd.s32 $0xF, v34;
	v39 =	vadd.f32 v50, v39;
	v40 =	vadd.f32 v51, v40  }
0x119: {  	v54 =	vadd.s32 $0xF, v35  }
0x11a: {  	v55 =	vadd.s32 $0xF, v36;
	v39 =	vadd.f32 v40, v39  }
0x11b: {  	v56 =	vadd.s32 $0xF, v37  }
0x11c: {  	[tilespmem:v52+s10+$0x0] =	vst.idx.msk $0xffff, v39  }
0x11d: {  	v39 =	vld.idx.msk [tilespmem:v53+s2+$0x0], $0xffff  }
0x11e: {  	v57 =	vld.idx.msk [tilespmem:v54+s2+$0x0], $0xffff  }
0x11f: {  	v40 =	vld.idx.msk [tilespmem:v55+s2+$0x0], $0xffff  }
0x120: {  	v58 =	vld.idx.msk [tilespmem:v56+s2+$0x0], $0xffff;
	_ =	sdelay $0x3  }
0x121: {  	v59 =	vadd.s32 v15, v38  }
0x122: {  	v60 =	vadd.s32 $0x10, v34;
	v39 =	vadd.f32 v57, v39;
	v40 =	vadd.f32 v58, v40  }
0x123: {  	v61 =	vadd.s32 $0x10, v35  }
0x124: {  	v62 =	vadd.s32 $0x10, v36;
	v39 =	vadd.f32 v40, v39  }
0x125: {  	v63 =	vadd.s32 $0x10, v37  }
0x126: {  	[tilespmem:v59+s10+$0x0] =	vst.idx.msk $0xffff, v39  }
0x127: {  	v39 =	vld.idx.msk [tilespmem:v60+s2+$0x0], $0xffff  }
0x128: {  	v47 =	vld.idx.msk [tilespmem:v61+s2+$0x0], $0xffff  }
0x129: {  	v40 =	vld.idx.msk [tilespmem:v62+s2+$0x0], $0xffff  }
0x12a: {  	v48 =	vld.idx.msk [tilespmem:v63+s2+$0x0], $0xffff;
	_ =	sdelay $0x3  }
0x12b: {  	v49 =	vadd.s32 v16, v38  }
0x12c: {  	v50 =	vadd.s32 $0x11, v34;
	v39 =	vadd.f32 v47, v39;
	v40 =	vadd.f32 v48, v40  }
0x12d: {  	v51 =	vadd.s32 $0x11, v35  }
0x12e: {  	v52 =	vadd.s32 $0x11, v36;
	v39 =	vadd.f32 v40, v39  }
0x12f: {  	v53 =	vadd.s32 $0x11, v37  }
0x130: {  	[tilespmem:v49+s10+$0x0] =	vst.idx.msk $0xffff, v39  }
0x131: {  	v39 =	vld.idx.msk [tilespmem:v50+s2+$0x0], $0xffff  }
0x132: {  	v54 =	vld.idx.msk [tilespmem:v51+s2+$0x0], $0xffff  }
0x133: {  	v40 =	vld.idx.msk [tilespmem:v52+s2+$0x0], $0xffff  }
0x134: {  	v55 =	vld.idx.msk [tilespmem:v53+s2+$0x0], $0xffff;
	_ =	sdelay $0x3  }
0x135: {  	v56 =	vadd.s32 v17, v38  }
0x136: {  	v57 =	vadd.s32 $0x12, v34;
	v39 =	vadd.f32 v54, v39;
	v40 =	vadd.f32 v55, v40  }
0x137: {  	v58 =	vadd.s32 $0x12, v35  }
0x138: {  	v59 =	vadd.s32 $0x12, v36;
	v39 =	vadd.f32 v40, v39  }
0x139: {  	v60 =	vadd.s32 $0x12, v37  }
0x13a: {  	[tilespmem:v56+s10+$0x0] =	vst.idx.msk $0xffff, v39  }
0x13b: {  	v39 =	vld.idx.msk [tilespmem:v57+s2+$0x0], $0xffff  }
0x13c: {  	v61 =	vld.idx.msk [tilespmem:v58+s2+$0x0], $0xffff  }
0x13d: {  	v40 =	vld.idx.msk [tilespmem:v59+s2+$0x0], $0xffff  }
0x13e: {  	v62 =	vld.idx.msk [tilespmem:v60+s2+$0x0], $0xffff;
	_ =	sdelay $0x3  }
0x13f: {  	v63 =	vadd.s32 v18, v38  }
0x140: {  	v48 =	vadd.s32 $0x13, v34;
	v39 =	vadd.f32 v61, v39;
	v40 =	vadd.f32 v62, v40  }
0x141: {  	v49 =	vadd.s32 $0x13, v35  }
0x142: {  	v50 =	vadd.s32 $0x13, v36;
	v39 =	vadd.f32 v40, v39  }
0x143: {  	v51 =	vadd.s32 $0x13, v37  }
0x144: {  	[tilespmem:v63+s10+$0x0] =	vst.idx.msk $0xffff, v39  }
0x145: {  	v39 =	vld.idx.msk [tilespmem:v48+s2+$0x0], $0xffff  }
0x146: {  	v52 =	vld.idx.msk [tilespmem:v49+s2+$0x0], $0xffff  }
0x147: {  	v40 =	vld.idx.msk [tilespmem:v50+s2+$0x0], $0xffff  }
0x148: {  	v53 =	vld.idx.msk [tilespmem:v51+s2+$0x0], $0xffff;
	_ =	sdelay $0x3  }
0x149: {  	v54 =	vadd.s32 v19, v38  }
0x14a: {  	v55 =	vadd.s32 $0x14, v34;
	v39 =	vadd.f32 v52, v39;
	v40 =	vadd.f32 v53, v40  }
0x14b: {  	v56 =	vadd.s32 $0x14, v35  }
0x14c: {  	v57 =	vadd.s32 $0x14, v36;
	v39 =	vadd.f32 v40, v39  }
0x14d: {  	v58 =	vadd.s32 $0x14, v37  }
0x14e: {  	[tilespmem:v54+s10+$0x0] =	vst.idx.msk $0xffff, v39  }
0x14f: {  	v39 =	vld.idx.msk [tilespmem:v55+s2+$0x0], $0xffff  }
0x150: {  	v59 =	vld.idx.msk [tilespmem:v56+s2+$0x0], $0xffff  }
0x151: {  	v40 =	vld.idx.msk [tilespmem:v57+s2+$0x0], $0xffff  }
0x152: {  	v60 =	vld.idx.msk [tilespmem:v58+s2+$0x0], $0xffff;
	_ =	sdelay $0x3  }
0x153: {  	v61 =	vadd.s32 v20, v38  }
0x154: {  	v62 =	vadd.s32 $0x15, v34;
	v39 =	vadd.f32 v59, v39;
	v40 =	vadd.f32 v60, v40  }
0x155: {  	v63 =	vadd.s32 $0x15, v35  }
0x156: {  	v48 =	vadd.s32 $0x15, v36;
	v39 =	vadd.f32 v40, v39  }
0x157: {  	v49 =	vadd.s32 $0x15, v37  }
0x158: {  	[tilespmem:v61+s10+$0x0] =	vst.idx.msk $0xffff, v39  }
0x159: {  	v39 =	vld.idx.msk [tilespmem:v62+s2+$0x0], $0xffff  }
0x15a: {  	v50 =	vld.idx.msk [tilespmem:v63+s2+$0x0], $0xffff  }
0x15b: {  	v40 =	vld.idx.msk [tilespmem:v48+s2+$0x0], $0xffff  }
0x15c: {  	v51 =	vld.idx.msk [tilespmem:v49+s2+$0x0], $0xffff;
	_ =	sdelay $0x3  }
0x15d: {  	v52 =	vadd.s32 v21, v38  }
0x15e: {  	v53 =	vadd.s32 $0x16, v34;
	v39 =	vadd.f32 v50, v39;
	v40 =	vadd.f32 v51, v40  }
0x15f: {  	v54 =	vadd.s32 $0x16, v35  }
0x160: {  	v55 =	vadd.s32 $0x16, v36;
	v39 =	vadd.f32 v40, v39  }
0x161: {  	v56 =	vadd.s32 $0x16, v37  }
0x162: {  	[tilespmem:v52+s10+$0x0] =	vst.idx.msk $0xffff, v39  }
0x163: {  	v39 =	vld.idx.msk [tilespmem:v53+s2+$0x0], $0xffff  }
0x164: {  	v57 =	vld.idx.msk [tilespmem:v54+s2+$0x0], $0xffff  }
0x165: {  	v40 =	vld.idx.msk [tilespmem:v55+s2+$0x0], $0xffff  }
0x166: {  	v58 =	vld.idx.msk [tilespmem:v56+s2+$0x0], $0xffff;
	_ =	sdelay $0x3  }
0x167: {  	v59 =	vadd.s32 v22, v38  }
0x168: {  	v60 =	vadd.s32 $0x17, v34;
	v39 =	vadd.f32 v57, v39;
	v40 =	vadd.f32 v58, v40  }
0x169: {  	v61 =	vadd.s32 $0x17, v35  }
0x16a: {  	v62 =	vadd.s32 $0x17, v36;
	v39 =	vadd.f32 v40, v39  }
0x16b: {  	v63 =	vadd.s32 $0x17, v37  }
0x16c: {  	[tilespmem:v59+s10+$0x0] =	vst.idx.msk $0xffff, v39  }
0x16d: {  	v39 =	vld.idx.msk [tilespmem:v60+s2+$0x0], $0xffff  }
0x16e: {  	v47 =	vld.idx.msk [tilespmem:v61+s2+$0x0], $0xffff  }
0x16f: {  	v40 =	vld.idx.msk [tilespmem:v62+s2+$0x0], $0xffff  }
0x170: {  	v48 =	vld.idx.msk [tilespmem:v63+s2+$0x0], $0xffff;
	_ =	sdelay $0x3  }
0x171: {  	v49 =	vadd.s32 v23, v38  }
0x172: {  	v50 =	vadd.s32 $0x18, v34;
	v39 =	vadd.f32 v47, v39;
	v40 =	vadd.f32 v48, v40  }
0x173: {  	v51 =	vadd.s32 $0x18, v35  }
0x174: {  	v52 =	vadd.s32 $0x18, v36;
	v39 =	vadd.f32 v40, v39  }
0x175: {  	v53 =	vadd.s32 $0x18, v37  }
0x176: {  	[tilespmem:v49+s10+$0x0] =	vst.idx.msk $0xffff, v39  }
0x177: {  	v39 =	vld.idx.msk [tilespmem:v50+s2+$0x0], $0xffff  }
0x178: {  	v54 =	vld.idx.msk [tilespmem:v51+s2+$0x0], $0xffff  }
0x179: {  	v40 =	vld.idx.msk [tilespmem:v52+s2+$0x0], $0xffff  }
0x17a: {  	v55 =	vld.idx.msk [tilespmem:v53+s2+$0x0], $0xffff;
	_ =	sdelay $0x3  }
0x17b: {  	v56 =	vadd.s32 v24, v38  }
0x17c: {  	v57 =	vadd.s32 $0x19, v34;
	v39 =	vadd.f32 v54, v39;
	v40 =	vadd.f32 v55, v40  }
0x17d: {  	v58 =	vadd.s32 $0x19, v35  }
0x17e: {  	v59 =	vadd.s32 $0x19, v36;
	v39 =	vadd.f32 v40, v39  }
0x17f: {  	v60 =	vadd.s32 $0x19, v37  }
0x180: {  	[tilespmem:v56+s10+$0x0] =	vst.idx.msk $0xffff, v39  }
0x181: {  	v39 =	vld.idx.msk [tilespmem:v57+s2+$0x0], $0xffff  }
0x182: {  	v61 =	vld.idx.msk [tilespmem:v58+s2+$0x0], $0xffff  }
0x183: {  	v40 =	vld.idx.msk [tilespmem:v59+s2+$0x0], $0xffff  }
0x184: {  	v62 =	vld.idx.msk [tilespmem:v60+s2+$0x0], $0xffff;
	_ =	sdelay $0x3  }
0x185: {  	v63 =	vadd.s32 v25, v38  }
0x186: {  	v48 =	vadd.s32 $0x1A, v34;
	v39 =	vadd.f32 v61, v39;
	v40 =	vadd.f32 v62, v40  }
0x187: {  	v49 =	vadd.s32 $0x1A, v35  }
0x188: {  	v50 =	vadd.s32 $0x1A, v36;
	v39 =	vadd.f32 v40, v39  }
0x189: {  	v51 =	vadd.s32 $0x1A, v37  }
0x18a: {  	[tilespmem:v63+s10+$0x0] =	vst.idx.msk $0xffff, v39  }
0x18b: {  	v39 =	vld.idx.msk [tilespmem:v48+s2+$0x0], $0xffff  }
0x18c: {  	v52 =	vld.idx.msk [tilespmem:v49+s2+$0x0], $0xffff  }
0x18d: {  	v40 =	vld.idx.msk [tilespmem:v50+s2+$0x0], $0xffff  }
0x18e: {  	v53 =	vld.idx.msk [tilespmem:v51+s2+$0x0], $0xffff;
	_ =	sdelay $0x3  }
0x18f: {  	v54 =	vadd.s32 v26, v38  }
0x190: {  	v55 =	vadd.s32 $0x1B, v34;
	v39 =	vadd.f32 v52, v39;
	v40 =	vadd.f32 v53, v40  }
0x191: {  	v56 =	vadd.s32 $0x1B, v35  }
0x192: {  	v57 =	vadd.s32 $0x1B, v36;
	v39 =	vadd.f32 v40, v39  }
0x193: {  	v58 =	vadd.s32 $0x1B, v37  }
0x194: {  	[tilespmem:v54+s10+$0x0] =	vst.idx.msk $0xffff, v39  }
0x195: {  	v39 =	vld.idx.msk [tilespmem:v55+s2+$0x0], $0xffff  }
0x196: {  	v59 =	vld.idx.msk [tilespmem:v56+s2+$0x0], $0xffff  }
0x197: {  	v40 =	vld.idx.msk [tilespmem:v57+s2+$0x0], $0xffff  }
0x198: {  	v60 =	vld.idx.msk [tilespmem:v58+s2+$0x0], $0xffff;
	_ =	sdelay $0x3  }
0x199: {  	v61 =	vadd.s32 v27, v38  }
0x19a: {  	v62 =	vadd.s32 $0x1C, v34;
	v39 =	vadd.f32 v59, v39;
	v40 =	vadd.f32 v60, v40  }
0x19b: {  	v63 =	vadd.s32 $0x1C, v35  }
0x19c: {  	v48 =	vadd.s32 $0x1C, v36;
	v39 =	vadd.f32 v40, v39  }
0x19d: {  	v49 =	vadd.s32 $0x1C, v37  }
0x19e: {  	[tilespmem:v61+s10+$0x0] =	vst.idx.msk $0xffff, v39  }
0x19f: {  	v39 =	vld.idx.msk [tilespmem:v62+s2+$0x0], $0xffff  }
0x1a0: {  	v50 =	vld.idx.msk [tilespmem:v63+s2+$0x0], $0xffff  }
0x1a1: {  	v40 =	vld.idx.msk [tilespmem:v48+s2+$0x0], $0xffff  }
0x1a2: {  	v51 =	vld.idx.msk [tilespmem:v49+s2+$0x0], $0xffff;
	_ =	sdelay $0x3  }
0x1a3: {  	v52 =	vadd.s32 v28, v38  }
0x1a4: {  	v53 =	vadd.s32 $0x1D, v34;
	v39 =	vadd.f32 v50, v39;
	v40 =	vadd.f32 v51, v40  }
0x1a5: {  	v54 =	vadd.s32 $0x1D, v35  }
0x1a6: {  	v55 =	vadd.s32 $0x1D, v36;
	v39 =	vadd.f32 v40, v39  }
0x1a7: {  	v56 =	vadd.s32 $0x1D, v37  }
0x1a8: {  	[tilespmem:v52+s10+$0x0] =	vst.idx.msk $0xffff, v39  }
0x1a9: {  	v39 =	vld.idx.msk [tilespmem:v53+s2+$0x0], $0xffff  }
0x1aa: {  	v57 =	vld.idx.msk [tilespmem:v54+s2+$0x0], $0xffff  }
0x1ab: {  	v40 =	vld.idx.msk [tilespmem:v55+s2+$0x0], $0xffff  }
0x1ac: {  	v58 =	vld.idx.msk [tilespmem:v56+s2+$0x0], $0xffff;
	_ =	sdelay $0x3  }
0x1ad: {  	v59 =	vadd.s32 v29, v38  }
0x1ae: {  	v60 =	vadd.s32 $0x1E, v34;
	v39 =	vadd.f32 v57, v39;
	v40 =	vadd.f32 v58, v40  }
0x1af: {  	v61 =	vadd.s32 $0x1E, v35  }
0x1b0: {  	v62 =	vadd.s32 $0x1E, v36;
	v39 =	vadd.f32 v40, v39  }
0x1b1: {  	v63 =	vadd.s32 $0x1E, v37  }
0x1b2: {  	[tilespmem:v59+s10+$0x0] =	vst.idx.msk $0xffff, v39  }
0x1b3: {  	v39 =	vld.idx.msk [tilespmem:v60+s2+$0x0], $0xffff  }
0x1b4: {  	v46 =	vld.idx.msk [tilespmem:v61+s2+$0x0], $0xffff  }
0x1b5: {  	v40 =	vld.idx.msk [tilespmem:v62+s2+$0x0], $0xffff  }
0x1b6: {  	v47 =	vld.idx.msk [tilespmem:v63+s2+$0x0], $0xffff;
	_ =	sdelay $0x3  }
0x1b7: {  	v48 =	vadd.s32 v30, v38  }
0x1b8: {  	v49 =	vadd.s32 $0x1F, v34;
	v39 =	vadd.f32 v46, v39;
	v40 =	vadd.f32 v47, v40  }
0x1b9: {  	v50 =	vadd.s32 $0x1F, v35  }
0x1ba: {  	v51 =	vadd.s32 $0x1F, v36;
	v39 =	vadd.f32 v40, v39  }
0x1bb: {  	v52 =	vadd.s32 $0x1F, v37  }
0x1bc: {  	[tilespmem:v48+s10+$0x0] =	vst.idx.msk $0xffff, v39  }
0x1bd: {  	v39 =	vld.idx.msk [tilespmem:v49+s2+$0x0], $0xffff  }
0x1be: {  	v53 =	vld.idx.msk [tilespmem:v50+s2+$0x0], $0xffff  }
0x1bf: {  	v40 =	vld.idx.msk [tilespmem:v51+s2+$0x0], $0xffff  }
0x1c0: {  	v54 =	vld.idx.msk [tilespmem:v52+s2+$0x0], $0xffff;
	_ =	sdelay $0x3  }
0x1c1: {  	v55 =	vadd.s32 v31, v38  }
0x1c2: {  	v56 =	vadd.s32 $0x20, v34;
	v39 =	vadd.f32 v53, v39;
	v40 =	vadd.f32 v54, v40  }
0x1c3: {  	v57 =	vadd.s32 $0x20, v35  }
0x1c4: {  	v58 =	vadd.s32 $0x20, v36;
	v39 =	vadd.f32 v40, v39  }
0x1c5: {  	v59 =	vadd.s32 $0x20, v37  }
0x1c6: {  	[tilespmem:v55+s10+$0x0] =	vst.idx.msk $0xffff, v39  }
0x1c7: {  	v39 =	vld.idx.msk [tilespmem:v56+s2+$0x0], $0xffff  }
0x1c8: {  	v60 =	vld.idx.msk [tilespmem:v57+s2+$0x0], $0xffff  }
0x1c9: {  	v40 =	vld.idx.msk [tilespmem:v58+s2+$0x0], $0xffff  }
0x1ca: {  	v61 =	vld.idx.msk [tilespmem:v59+s2+$0x0], $0xffff;
	_ =	sdelay $0x3  }
0x1cb: {  	v62 =	vadd.s32 v32, v38  }
0x1cc: {  	v34 =	vadd.s32 $0x21, v34;
	v39 =	vadd.f32 v60, v39;
	v40 =	vadd.f32 v61, v40  }
0x1cd: {  	v35 =	vadd.s32 $0x21, v35  }
0x1ce: {  	v36 =	vadd.s32 $0x21, v36;
	v39 =	vadd.f32 v40, v39  }
0x1cf: {  	v37 =	vadd.s32 $0x21, v37  }
0x1d0: {  	[tilespmem:v62+s10+$0x0] =	vst.idx.msk $0xffff, v39  }
0x1d1: {  	v34 =	vld.idx.msk [tilespmem:v34+s2+$0x0], $0xffff  }
0x1d2: {  	v35 =	vld.idx.msk [tilespmem:v35+s2+$0x0], $0xffff  }
0x1d3: {  	v36 =	vld.idx.msk [tilespmem:v36+s2+$0x0], $0xffff  }
0x1d4: {  	v37 =	vld.idx.msk [tilespmem:v37+s2+$0x0], $0xffff;
	_ =	sdelay $0x3  }
0x1d5: {  	p0 =	sne.s32 s14, $0x1F0;
	v38 =	vadd.s32 v33, v38  }
.Ltmp0:
0x1d6: {  	v34 =	vadd.f32 v35, v34;
	v63 =	vadd.f32 v37, v36;
	(pc) =	sbr.rel @p0 .LBB2_2-.Ltmp0, $3  }
0x1d7: {  	_ = 	snop  }
0x1d8: {  	v34 =	vadd.f32 v63, v34;
	_ =	sdelay $0x1  }
0x1d9: {  	s13 =	sadd.s32 $0x80, s13;
	s14 =	sadd.s32 $0x10, s14;
	[tilespmem:v38+s10+$0x0] =	vst.idx.msk $0xffff, v34  }
0x1da: {  	s13 =	rddreg [dreg:$0xc]  }
0x1db: {  	[hbm4b:s13+s2] =	stream.linear.scatter [tilespmem:s10], [sflag:$0x2], $0x4400, $0x38;
	[tilespmem:$0xEE00] =	vst v63  }
0x1dc: {  	_ =	swait.ge [sflag:s11], $0x4400  }
0x1dd: {  	s12 =	sadd.s32 $0x1, s12;
	s16 =	rddreg [dreg:$0xd]  }
0x1de: {  	p0 =	sne.s32 s12, s16  }
.Ltmp1:
0x1df: {  	_ = 	snop;
	(pc) =	sbr.rel @p0 .LBB2_1-.Ltmp1, $3  }
0x1e0: {  	_ =	sdelay $0x1  }
0x1e1: {  	[sflag:s11] =	ssyncset.done $0x0  }
0x1e2: {  	[sflag:s11] =	ssyncadd.s32 $0xFFFFBC00  }
0x1e3: {  	_ =	sfence.sel $0x180000  }
0x1e4: {  	[bflag:$0x0] =	sbarrier.arrive $0xFFFF  }
0x1e5: {  	_ =	strace $0x90000047  }
0x1e6: {  	s0 =	stileid.u32;
	[bflag:$0x2] =	sbarrier.arrive $0xFFFF  }
0x1e7: {  	p0 =	sne.s32 s0, $0x0;
	s0 =	rddreg [dreg:$0x3]  }
0x1e8: {  	s0 =	sadd.s32 @!p0 $0x100000, s0  }
0x1e9: {  	[sflag:s0] =	ssyncadd.tile.s32 @!p0 $0x1;
	_ =	shalt  }
.Lfunc_end2:
_tile_overlayer_lowered:
.L_overlay_start_2:
0x1ea: {  	(tag) =	ssettag $0x2  }
0x1eb: {  	s0 =	rddreg [dreg:$0x0];
	s2 =	stileid.u32  }
0x1ec: {  	s1 =	rddreg [dreg:$0x1];
	p0 =	sne.s32 s2, $0x0  }
0x1ed: {  	s3 =	rddreg [dreg:$0x2];
	[bflag:$0x3] =	sbarrier.arrive $0xFFFF;
	s2 =	simm.s32 @!p0 $0x1C02  }
0x1ee: {  	[timem:s3], [sflag:s2] =	dma.local @!p0 [hbm:s0], s1  }
0x1ef: {  	s0 =	simm.s32 @!p0 $0x2  }
0x1f0: {  	_ =	swait.ge @!p0 [sflag:s0], s1  }
0x1f1: {  	s1 =	ssub.s32 @!p0 $0x0, s1;
	[sflag:s0] =	ssyncset.done @!p0 $0x0  }
0x1f2: {  	[sflag:s0] =	ssyncadd.s32 @!p0 s1  }
0x1f3: {  	[bflag:$0x3] =	sbarrier.arrive $0xFFFF  }
0x1f4: {  	_ =	shalt  }

</sc_bundles>
